<compile_context>
chip_gen: v7x
topology: tpu7x:2x2x1
jax: 0.10.2.dev20260603
libtpu: 0.0.44.dev20260713+nightly
codegen_flags: <defaults>
</compile_context>

<pallas_src>
import functools

import jax
import jax.numpy as jnp
from jax import lax
from jax.experimental import pallas as pl
from jax.experimental.pallas import tpu as pltpu
from jax.experimental.pallas import tpu_sc as plsc

N = 10000
D_H = 128
D_OUT = 64
EPS = 1e-5

NC, NS, LANES = 2, 16, 16
NW = NC * NS
B = 128
N_PAD = 10112
ROWS_PER_TILE = N_PAD // NS
PAD_DST = N + 8
CORE0_FRAC = 0.5
MODE0 = "serial"
MODE1 = "serial"


def _sc_mesh():
    return plsc.VectorSubcoreMesh(core_axis_name="c", subcore_axis_name="s")


@functools.lru_cache(maxsize=None)
def _deg_kernel(kb):

    kbd = kb // NW

    @functools.partial(
        pl.kernel,
        out_type=jax.ShapeDtypeStruct((NC, N_PAD, D_H), jnp.float32),
        mesh=_sc_mesh(),
        scratch_types=[
            pltpu.VMEM((kb // NW, B), jnp.int32),
            pltpu.VMEM((B, D_H), jnp.float32),
            pltpu.VMEM_SHARED((N_PAD, D_H), jnp.float32),
            pltpu.SemaphoreType.DMA,
        ],
    )
    def deg_kernel(dst_hbm, ones_hbm, zeros_hbm, out_hbm, dst_v, ones_v, acc,
                   sem):
        c = lax.axis_index("c")
        s = lax.axis_index("s")
        wid = s * NC + c
        row0 = s * ROWS_PER_TILE
        pltpu.sync_copy(zeros_hbm.at[pl.ds(row0, ROWS_PER_TILE)],
                        acc.at[pl.ds(row0, ROWS_PER_TILE)])
        pltpu.sync_copy(dst_hbm.at[pl.ds(wid * kbd, kbd)], dst_v)
        pltpu.sync_copy(ones_hbm, ones_v)
        plsc.subcore_barrier()

        def body(g, carry):
            pltpu.async_copy(ones_v, acc.at[dst_v.at[g]], sem, add=True)
            return carry

        lax.fori_loop(0, kbd, body, 0)

        def drain(g, carry):
            pltpu.make_async_copy(ones_v, acc.at[dst_v.at[g]], sem).wait()
            return carry

        lax.fori_loop(0, kbd, drain, 0)
        plsc.subcore_barrier()
        pltpu.sync_copy(acc.at[pl.ds(row0, ROWS_PER_TILE)],
                        out_hbm.at[c].at[pl.ds(row0, ROWS_PER_TILE)])

    return deg_kernel


NBUF = 2
IB = 8


@functools.lru_cache(maxsize=None)
def _feat_kernel(kb0, kb1, d):
    kbmax = max(kb0, kb1)

    @functools.partial(
        pl.kernel,
        out_type=jax.ShapeDtypeStruct((NC, N_PAD, d), jnp.float32),
        mesh=_sc_mesh(),
        scratch_types=[
            pltpu.VMEM((kbmax, B), jnp.int32),
            pltpu.VMEM((kbmax, B), jnp.int32),
            pltpu.VMEM_SHARED((N_PAD, d), jnp.float32),
            pltpu.VMEM((B, d), jnp.float32),
            pltpu.SemaphoreType.DMA,
        ],
    )
    def feat_kernel(y_hbm, src_hbm, dst_hbm, zeros_hbm, out_hbm,
                    src_v, dst_v, acc, buf, gsem):
        c = lax.axis_index("c")
        s = lax.axis_index("s")
        row0 = s * ROWS_PER_TILE
        pltpu.sync_copy(zeros_hbm.at[pl.ds(row0, ROWS_PER_TILE)],
                        acc.at[pl.ds(row0, ROWS_PER_TILE)])

        def run(kb, base):
            pltpu.sync_copy(src_hbm.at[pl.ds(base, kb)],
                            src_v.at[pl.ds(0, kb)])
            pltpu.sync_copy(dst_hbm.at[pl.ds(base, kb)],
                            dst_v.at[pl.ds(0, kb)])
            plsc.subcore_barrier()

            def body(j, carry):
                pltpu.async_copy(y_hbm.at[src_v.at[j]], buf, gsem).wait()
                pltpu.sync_copy(buf, acc.at[dst_v.at[j]], add=True)
                return carry

            lax.fori_loop(0, kb, body, 0)

        if kb0 == kb1:
            run(kb0, lax.select(c == 0, s * kb0, NS * kb0 + s * kb1))
        else:
            @pl.when(c == 0)
            def _():
                run(kb0, s * kb0)

            @pl.when(c == 1)
            def _():
                run(kb1, NS * kb0 + s * kb1)

        plsc.subcore_barrier()
        pltpu.sync_copy(acc.at[pl.ds(row0, ROWS_PER_TILE)],
                        out_hbm.at[c].at[pl.ds(row0, ROWS_PER_TILE)])

    return feat_kernel


def _prep(x, w, degp):

    def body(x_ref, w_ref, degp_ref, y_ref, dis_ref):
        deg = 1.0 + degp_ref[0, :, 0:1] + degp_ref[1, :, 0:1]
        dis = lax.rsqrt(deg)
        dis_ref[...] = dis
        xw = jnp.dot(x_ref[...], w_ref[...], preferred_element_type=jnp.float32)
        y_ref[...] = xw * dis[:N]

    return pl.pallas_call(
        body,
        out_shape=(jax.ShapeDtypeStruct((N, w.shape[1]), jnp.float32),
                   jax.ShapeDtypeStruct((N_PAD, 1), jnp.float32)),
    )(x, w, degp)


def _combine_mid(z, y, dis, b, g, be, w_next):

    def body(z_ref, y_ref, dis_ref, b_ref, g_ref, be_ref, w_ref, o_ref):
        dis_n = dis_ref[:N]
        o = (z_ref[0, :N, :] + z_ref[1, :N, :] + y_ref[...]) * dis_n + b_ref[...]
        mean = jnp.mean(o, axis=0, keepdims=True)
        var = jnp.mean((o - mean) ** 2, axis=0, keepdims=True)
        h = g_ref[...] * (o - mean) * lax.rsqrt(var + EPS) + be_ref[...]
        h = jnp.maximum(h, 0.0)
        o_ref[...] = jnp.dot(h, w_ref[...], preferred_element_type=jnp.float32) * dis_n

    return pl.pallas_call(
        body,
        out_shape=jax.ShapeDtypeStruct((N, w_next.shape[1]), jnp.float32),
    )(z, y, dis, b.reshape(1, -1), g.reshape(1, -1), be.reshape(1, -1), w_next)


def _final(z, y, dis, b):

    d = b.shape[0]

    def body(z_ref, y_ref, dis_ref, b_ref, o_ref):
        o_ref[...] = ((z_ref[0, :N, :d] + z_ref[1, :N, :d] + y_ref[:, :d])
                      * dis_ref[:N] + b_ref[...])

    return pl.pallas_call(
        body,
        out_shape=jax.ShapeDtypeStruct((N, d), jnp.float32),
    )(z, y, dis, b.reshape(1, -1))


def kernel(x, edge_index, W1, b1, g1, be1, W2, b2, g2, be2, W3, b3):
    src, dst = edge_index[0], edge_index[1]
    e = src.shape[0]
    unit = NS * 8
    tot = -(-e // (B * unit)) * unit
    kb0 = min(tot // NS, max(8, (round(tot / NS * CORE0_FRAC) // 8) * 8))
    kb1 = tot // NS - kb0
    pad = B * tot - e
    src_p = jnp.concatenate(
        [src, jnp.zeros((pad,), jnp.int32)]).reshape(tot, B)
    dst_p = jnp.concatenate(
        [dst, jnp.full((pad,), PAD_DST, jnp.int32)]).reshape(tot, B)
    ones128 = jnp.ones((B, D_H), jnp.float32)
    zeros128 = jnp.zeros((N_PAD, D_H), jnp.float32)

    w3p = jnp.pad(W3, ((0, 0), (0, D_H - D_OUT)))

    degp = _deg_kernel(tot)(dst_p, ones128, zeros128)
    y1, dis = _prep(x, W1, degp)
    z1 = _feat_kernel(kb0, kb1, D_H)(y1, src_p, dst_p, zeros128)
    y2 = _combine_mid(z1, y1, dis, b1, g1, be1, W2)
    z2 = _feat_kernel(kb0, kb1, D_H)(y2, src_p, dst_p, zeros128)
    y3 = _combine_mid(z2, y2, dis, b2, g2, be2, w3p)
    z3 = _feat_kernel(kb0, kb1, D_H)(y3, src_p, dst_p, zeros128)
    return _final(z3, y3, dis, b3)

# --- scband reference (transcript-rebuilt; emitter-appended) ---
"""Pipeline reference for scband-graph-neural-network-64192581206328 (READ-ONLY COPY).

The authoritative reference and input builder live on the scoring server;
editing this copy changes nothing except your own understanding.
"""

import jax, jax.numpy as jnp
import numpy as np

N = 10000
E = 320000
D_IN = 128
D_H = 128
D_OUT = 64


def gcn_conv(x, edge_index, W, b):
    # PyG GCNConv: add self-loops, symmetric normalization D^-1/2 (A+I) D^-1/2 X W + b
    num_nodes = x.shape[0]
    loop = jnp.arange(num_nodes, dtype=edge_index.dtype)
    src = jnp.concatenate([edge_index[0], loop])
    dst = jnp.concatenate([edge_index[1], loop])
    ew = jnp.ones(src.shape[0], dtype=x.dtype)
    deg = jax.ops.segment_sum(ew, dst, num_segments=num_nodes)
    dis = jnp.where(deg > 0, deg ** -0.5, 0.0)
    norm = dis[src] * ew * dis[dst]
    xw = x @ W
    msg = xw[src] * norm[:, None]
    out = jax.ops.segment_sum(msg, dst, num_segments=num_nodes)
    return out + b


def batch_norm(x, gamma, beta, eps=1e-5):
    mean = jnp.mean(x, axis=0)
    var = jnp.var(x, axis=0)
    return gamma * (x - mean) / jnp.sqrt(var + eps) + beta


def setup_inputs(seed: int = 0) -> dict:
    key = jax.random.key(seed)
    ks = jax.random.split(key, 12)
    x = jax.random.normal(ks[0], (N, D_IN), dtype=jnp.float32)
    edge_index = jax.random.randint(ks[1], (2, E), 0, N, dtype=jnp.int32)
    W1 = jax.random.normal(ks[2], (D_IN, D_H), dtype=jnp.float32) * (1.0 / np.sqrt(D_IN))
    b1 = jnp.zeros((D_H,), dtype=jnp.float32)
    g1 = jnp.ones((D_H,), dtype=jnp.float32)
    be1 = jnp.zeros((D_H,), dtype=jnp.float32)
    W2 = jax.random.normal(ks[3], (D_H, D_H), dtype=jnp.float32) * (1.0 / np.sqrt(D_H))
    b2 = jnp.zeros((D_H,), dtype=jnp.float32)
    g2 = jnp.ones((D_H,), dtype=jnp.float32)
    be2 = jnp.zeros((D_H,), dtype=jnp.float32)
    W3 = jax.random.normal(ks[4], (D_H, D_OUT), dtype=jnp.float32) * (1.0 / np.sqrt(D_H))
    b3 = jnp.zeros((D_OUT,), dtype=jnp.float32)
    return {"x": x, "edge_index": edge_index, "W1": W1, "b1": b1, "g1": g1, "be1": be1,
            "W2": W2, "b2": b2, "g2": g2, "be2": be2, "W3": W3, "b3": b3}


def reference(x, edge_index, W1, b1, g1, be1, W2, b2, g2, be2, W3, b3):
    # layer 1
    h = gcn_conv(x, edge_index, W1, b1)
    h = batch_norm(h, g1, be1)
    h = jax.nn.relu(h)
    # dropout -> identity (eval mode)
    # layer 2
    h = gcn_conv(h, edge_index, W2, b2)
    h = batch_norm(h, g2, be2)
    h = jax.nn.relu(h)
    # final layer
    out = gcn_conv(h, edge_index, W3, b3)
    return out

if __name__ == "__main__":
    import jax
    _d = setup_inputs()
    print(jax.jit(kernel)(*tuple(_d.values())))

</pallas_src>

<mosaic_0001>
#map = affine_map<(d0, d1) -> (0, 0)>
#map1 = affine_map<(d0, d1) -> (0, 0, 0)>
module attributes {stable_mosaic.version = 14 : i64} {
  func.func @deg_kernel(%arg0: i32, %arg1: i32, %arg2: memref<2560x128xi32, #tpu.memory_space<hbm>>, %arg3: memref<128x128xf32, #tpu.memory_space<hbm>>, %arg4: memref<10112x128xf32, #tpu.memory_space<hbm>>, %arg5: memref<2x10112x128xf32, #tpu.memory_space<hbm>>, %arg6: memref<80x128xi32, #tpu.memory_space<vmem>>, %arg7: memref<128x128xf32, #tpu.memory_space<vmem>>, %arg8: memref<10112x128xf32, #tpu.memory_space<vmem_shared>>, %arg9: memref<!tpu.dma_semaphore, #tpu.memory_space<semaphore_mem>>) attributes {dimension_semantics = [#tpu.dimension_semantics<core_parallel>, #tpu.dimension_semantics<subcore_parallel>], iteration_bounds = array<i64: 2, 16>, scalar_prefetch = 0 : i64, scratch_operands = 4 : i64, tpu.core_type = #tpu.core_type<sc_vector_subcore>, window_params = [{transform_indices = #map}, {transform_indices = #map}, {transform_indices = #map}, {transform_indices = #map1}]} {
    %mul3A = arith.constant 2 : i32
    %mul3A_0 = arith.muli %arg1, %mul3A : i32
    %add3A = arith.addi %mul3A_0, %arg0 : i32
    %mul3A_1 = arith.constant 632 : i32
    %mul3A_2 = arith.muli %arg1, %mul3A_1 : i32
    "tpu.region"() ({
      %run_scoped3A = tpu.sem_alloc : memref<!tpu.dma_semaphore, #tpu.memory_space<semaphore_mem>>
      %dma_start3A = arith.constant 0 : i32
      %dma_start3A_17 = tpu.memref_slice %arg8[%mul3A_2, %dma_start3A] : memref<10112x128xf32, #tpu.memory_space<vmem_shared>> -> memref<632x128xf32, #tpu.memory_space<vmem_shared>>
      %dma_start3A_18 = arith.constant 0 : i32
      %dma_start3A_19 = tpu.memref_slice %arg4[%mul3A_2, %dma_start3A_18] : memref<10112x128xf32, #tpu.memory_space<hbm>> -> memref<632x128xf32, #tpu.memory_space<hbm>>
      tpu.enqueue_dma source(%dma_start3A_19 : memref<632x128xf32, #tpu.memory_space<hbm>>) target(%dma_start3A_17 : memref<632x128xf32, #tpu.memory_space<vmem_shared>>) target_semaphore(%run_scoped3A : memref<!tpu.dma_semaphore, #tpu.memory_space<semaphore_mem>>)
      %dma_wait3A = arith.constant 0 : i32
      %dma_wait3A_20 = tpu.memref_slice %arg8[%mul3A_2, %dma_wait3A] : memref<10112x128xf32, #tpu.memory_space<vmem_shared>> -> memref<632x128xf32, #tpu.memory_space<vmem_shared>>
      %dma_wait3A_21 = arith.constant 0 : i32
      %dma_wait3A_22 = tpu.memref_slice %arg4[%mul3A_2, %dma_wait3A_21] : memref<10112x128xf32, #tpu.memory_space<hbm>> -> memref<632x128xf32, #tpu.memory_space<hbm>>
      tpu.wait_dma2 semaphore(%run_scoped3A : memref<!tpu.dma_semaphore, #tpu.memory_space<semaphore_mem>>) src(%dma_wait3A_22 : memref<632x128xf32, #tpu.memory_space<hbm>>) dst(%dma_wait3A_20 : memref<632x128xf32, #tpu.memory_space<vmem_shared>>)
      tpu.yield
    }) : () -> ()
    %mul3A_3 = arith.constant 80 : i32
    %mul3A_4 = arith.muli %add3A, %mul3A_3 : i32
    "tpu.region"() ({
      %run_scoped3A = tpu.sem_alloc : memref<!tpu.dma_semaphore, #tpu.memory_space<semaphore_mem>>
      %dma_start3A = arith.constant 0 : i32
      %dma_start3A_17 = tpu.memref_slice %arg2[%mul3A_4, %dma_start3A] : memref<2560x128xi32, #tpu.memory_space<hbm>> -> memref<80x128xi32, #tpu.memory_space<hbm>>
      %dma_start3A_18 = arith.constant 0 : i32
      %dma_start3A_19 = tpu.memref_slice %arg2[%mul3A_4, %dma_start3A_18] : memref<2560x128xi32, #tpu.memory_space<hbm>> -> memref<80x128xi32, #tpu.memory_space<hbm>>
      tpu.enqueue_dma source(%dma_start3A_19 : memref<80x128xi32, #tpu.memory_space<hbm>>) target(%arg6 : memref<80x128xi32, #tpu.memory_space<vmem>>) target_semaphore(%run_scoped3A : memref<!tpu.dma_semaphore, #tpu.memory_space<semaphore_mem>>)
      %dma_wait3A = arith.constant 0 : i32
      %dma_wait3A_20 = tpu.memref_slice %arg2[%mul3A_4, %dma_wait3A] : memref<2560x128xi32, #tpu.memory_space<hbm>> -> memref<80x128xi32, #tpu.memory_space<hbm>>
      %dma_wait3A_21 = arith.constant 0 : i32
      %dma_wait3A_22 = tpu.memref_slice %arg2[%mul3A_4, %dma_wait3A_21] : memref<2560x128xi32, #tpu.memory_space<hbm>> -> memref<80x128xi32, #tpu.memory_space<hbm>>
      tpu.wait_dma2 semaphore(%run_scoped3A : memref<!tpu.dma_semaphore, #tpu.memory_space<semaphore_mem>>) src(%dma_wait3A_22 : memref<80x128xi32, #tpu.memory_space<hbm>>) dst(%arg6 : memref<80x128xi32, #tpu.memory_space<vmem>>)
      tpu.yield
    }) : () -> ()
    "tpu.region"() ({
      %run_scoped3A = tpu.sem_alloc : memref<!tpu.dma_semaphore, #tpu.memory_space<semaphore_mem>>
      tpu.enqueue_dma source(%arg3 : memref<128x128xf32, #tpu.memory_space<hbm>>) target(%arg7 : memref<128x128xf32, #tpu.memory_space<vmem>>) target_semaphore(%run_scoped3A : memref<!tpu.dma_semaphore, #tpu.memory_space<semaphore_mem>>)
      tpu.wait_dma2 semaphore(%run_scoped3A : memref<!tpu.dma_semaphore, #tpu.memory_space<semaphore_mem>>) src(%arg3 : memref<128x128xf32, #tpu.memory_space<hbm>>) dst(%arg7 : memref<128x128xf32, #tpu.memory_space<vmem>>)
      tpu.yield
    }) : () -> ()
    %barrier3A = arith.constant 0 : index
    tpu.barrier barrier_id(%barrier3A)
    %scan3A = arith.constant 0 : i32
    %scan3A_5 = arith.constant 0 : i32
    %scan3A_6 = arith.constant 80 : i32
    %scan3A_7 = arith.addi %scan3A_5, %scan3A_6 : i32
    %scan3A_8 = arith.constant 1 : i32
    scf.for %scan3A_17 = %scan3A_5 to %scan3A_7 step %scan3A_8  : i32 {
      %dma_start3A = arith.constant 0 : i32
      %dma_start3A_18 = tpu.memref_slice %arg6[%scan3A_17, %dma_start3A] : memref<80x128xi32, #tpu.memory_space<vmem>> -> memref<1x128xi32, #tpu.memory_space<vmem>>
      %dma_start3A_19 = tpu.memref_squeeze %dma_start3A_18 : memref<1x128xi32, #tpu.memory_space<vmem>> -> memref<128xi32, #tpu.memory_space<vmem>>
      %dma_start3A_20 = arith.constant 0 : i32
      %dma_start3A_21 = arith.constant 0 : i32
      %dma_start3A_22 = tpu.memref_slice %arg8[%dma_start3A_20, %dma_start3A_21] : memref<10112x128xf32, #tpu.memory_space<vmem_shared>> -> memref<10112x128xf32, #tpu.memory_space<vmem_shared>>
      tpu.enqueue_indirect_dma source(%arg7 : memref<128x128xf32, #tpu.memory_space<vmem>>) target(%dma_start3A_22 : memref<10112x128xf32, #tpu.memory_space<vmem_shared>>) offsets(%dma_start3A_19 : memref<128xi32, #tpu.memory_space<vmem>>) semaphore(%arg9 : memref<!tpu.dma_semaphore, #tpu.memory_space<semaphore_mem>>) {add = true}
    }
    %scan3A_9 = arith.constant 80 : i32
    %scan3A_10 = arith.constant 0 : i32
    %scan3A_11 = arith.constant 0 : i32
    %scan3A_12 = arith.constant 80 : i32
    %scan3A_13 = arith.addi %scan3A_11, %scan3A_12 : i32
    %scan3A_14 = arith.constant 1 : i32
    scf.for %scan3A_17 = %scan3A_11 to %scan3A_13 step %scan3A_14  : i32 {
      %dma_wait3A = arith.constant 0 : i32
      %dma_wait3A_18 = tpu.memref_slice %arg6[%scan3A_17, %dma_wait3A] : memref<80x128xi32, #tpu.memory_space<vmem>> -> memref<1x128xi32, #tpu.memory_space<vmem>>
      %dma_wait3A_19 = tpu.memref_squeeze %dma_wait3A_18 : memref<1x128xi32, #tpu.memory_space<vmem>> -> memref<128xi32, #tpu.memory_space<vmem>>
      %dma_wait3A_20 = arith.constant 0 : i32
      %dma_wait3A_21 = arith.constant 0 : i32
      %dma_wait3A_22 = tpu.memref_slice %arg8[%dma_wait3A_20, %dma_wait3A_21] : memref<10112x128xf32, #tpu.memory_space<vmem_shared>> -> memref<10112x128xf32, #tpu.memory_space<vmem_shared>>
      tpu.wait_indirect_dma semaphore(%arg9 : memref<!tpu.dma_semaphore, #tpu.memory_space<semaphore_mem>>) src(%arg7 : memref<128x128xf32, #tpu.memory_space<vmem>>) dst(%dma_wait3A_22 : memref<10112x128xf32, #tpu.memory_space<vmem_shared>>)
    }
    %scan3A_15 = arith.constant 80 : i32
    %barrier3A_16 = arith.constant 0 : index
    tpu.barrier barrier_id(%barrier3A_16)
    "tpu.region"() ({
      %run_scoped3A = tpu.sem_alloc : memref<!tpu.dma_semaphore, #tpu.memory_space<semaphore_mem>>
      %dma_start3A = arith.constant 0 : i32
      %dma_start3A_17 = arith.constant 0 : i32
      %dma_start3A_18 = tpu.memref_slice %arg5[%arg0, %dma_start3A, %dma_start3A_17] : memref<2x10112x128xf32, #tpu.memory_space<hbm>> -> memref<1x10112x128xf32, #tpu.memory_space<hbm>>
      %dma_start3A_19 = tpu.memref_squeeze %dma_start3A_18 : memref<1x10112x128xf32, #tpu.memory_space<hbm>> -> memref<10112x128xf32, #tpu.memory_space<hbm>>
      %dma_start3A_20 = arith.constant 0 : i32
      %dma_start3A_21 = tpu.memref_slice %dma_start3A_19[%mul3A_2, %dma_start3A_20] : memref<10112x128xf32, #tpu.memory_space<hbm>> -> memref<632x128xf32, #tpu.memory_space<hbm>>
      %dma_start3A_22 = arith.constant 0 : i32
      %dma_start3A_23 = tpu.memref_slice %arg8[%mul3A_2, %dma_start3A_22] : memref<10112x128xf32, #tpu.memory_space<vmem_shared>> -> memref<632x128xf32, #tpu.memory_space<vmem_shared>>
      tpu.enqueue_dma source(%dma_start3A_23 : memref<632x128xf32, #tpu.memory_space<vmem_shared>>) target(%dma_start3A_21 : memref<632x128xf32, #tpu.memory_space<hbm>>) target_semaphore(%run_scoped3A : memref<!tpu.dma_semaphore, #tpu.memory_space<semaphore_mem>>)
      %dma_wait3A = arith.constant 0 : i32
      %dma_wait3A_24 = arith.constant 0 : i32
      %dma_wait3A_25 = tpu.memref_slice %arg5[%arg0, %dma_wait3A, %dma_wait3A_24] : memref<2x10112x128xf32, #tpu.memory_space<hbm>> -> memref<1x10112x128xf32, #tpu.memory_space<hbm>>
      %dma_wait3A_26 = tpu.memref_squeeze %dma_wait3A_25 : memref<1x10112x128xf32, #tpu.memory_space<hbm>> -> memref<10112x128xf32, #tpu.memory_space<hbm>>
      %dma_wait3A_27 = arith.constant 0 : i32
      %dma_wait3A_28 = tpu.memref_slice %dma_wait3A_26[%mul3A_2, %dma_wait3A_27] : memref<10112x128xf32, #tpu.memory_space<hbm>> -> memref<632x128xf32, #tpu.memory_space<hbm>>
      %dma_wait3A_29 = arith.constant 0 : i32
      %dma_wait3A_30 = tpu.memref_slice %arg8[%mul3A_2, %dma_wait3A_29] : memref<10112x128xf32, #tpu.memory_space<vmem_shared>> -> memref<632x128xf32, #tpu.memory_space<vmem_shared>>
      tpu.wait_dma2 semaphore(%run_scoped3A : memref<!tpu.dma_semaphore, #tpu.memory_space<semaphore_mem>>) src(%dma_wait3A_30 : memref<632x128xf32, #tpu.memory_space<vmem_shared>>) dst(%dma_wait3A_28 : memref<632x128xf32, #tpu.memory_space<hbm>>)
      tpu.yield
    }) : () -> ()
    return
  }
}

#map = affine_map<(d0, d1) -> (0, 0)>
#map1 = affine_map<(d0, d1) -> (0, 0, 0)>
module attributes {stable_mosaic.version = 14 : i64} {
  func.func @feat_kernel(%arg0: i32, %arg1: i32, %arg2: memref<10000x128xf32, #tpu.memory_space<hbm>>, %arg3: memref<2560x128xi32, #tpu.memory_space<hbm>>, %arg4: memref<2560x128xi32, #tpu.memory_space<hbm>>, %arg5: memref<10112x128xf32, #tpu.memory_space<hbm>>, %arg6: memref<2x10112x128xf32, #tpu.memory_space<hbm>>, %arg7: memref<80x128xi32, #tpu.memory_space<vmem>>, %arg8: memref<80x128xi32, #tpu.memory_space<vmem>>, %arg9: memref<10112x128xf32, #tpu.memory_space<vmem_shared>>, %arg10: memref<128x128xf32, #tpu.memory_space<vmem>>, %arg11: memref<!tpu.dma_semaphore, #tpu.memory_space<semaphore_mem>>) attributes {dimension_semantics = [#tpu.dimension_semantics<core_parallel>, #tpu.dimension_semantics<subcore_parallel>], iteration_bounds = array<i64: 2, 16>, scalar_prefetch = 0 : i64, scratch_operands = 5 : i64, tpu.core_type = #tpu.core_type<sc_vector_subcore>, window_params = [{transform_indices = #map}, {transform_indices = #map}, {transform_indices = #map}, {transform_indices = #map}, {transform_indices = #map1}]} {
    %mul3A = arith.constant 632 : i32
    %mul3A_0 = arith.muli %arg1, %mul3A : i32
    "tpu.region"() ({
      %run_scoped3A = tpu.sem_alloc : memref<!tpu.dma_semaphore, #tpu.memory_space<semaphore_mem>>
      %dma_start3A = arith.constant 0 : i32
      %dma_start3A_13 = tpu.memref_slice %arg9[%mul3A_0, %dma_start3A] : memref<10112x128xf32, #tpu.memory_space<vmem_shared>> -> memref<632x128xf32, #tpu.memory_space<vmem_shared>>
      %dma_start3A_14 = arith.constant 0 : i32
      %dma_start3A_15 = tpu.memref_slice %arg5[%mul3A_0, %dma_start3A_14] : memref<10112x128xf32, #tpu.memory_space<hbm>> -> memref<632x128xf32, #tpu.memory_space<hbm>>
      tpu.enqueue_dma source(%dma_start3A_15 : memref<632x128xf32, #tpu.memory_space<hbm>>) target(%dma_start3A_13 : memref<632x128xf32, #tpu.memory_space<vmem_shared>>) target_semaphore(%run_scoped3A : memref<!tpu.dma_semaphore, #tpu.memory_space<semaphore_mem>>)
      %dma_wait3A = arith.constant 0 : i32
      %dma_wait3A_16 = tpu.memref_slice %arg9[%mul3A_0, %dma_wait3A] : memref<10112x128xf32, #tpu.memory_space<vmem_shared>> -> memref<632x128xf32, #tpu.memory_space<vmem_shared>>
      %dma_wait3A_17 = arith.constant 0 : i32
      %dma_wait3A_18 = tpu.memref_slice %arg5[%mul3A_0, %dma_wait3A_17] : memref<10112x128xf32, #tpu.memory_space<hbm>> -> memref<632x128xf32, #tpu.memory_space<hbm>>
      tpu.wait_dma2 semaphore(%run_scoped3A : memref<!tpu.dma_semaphore, #tpu.memory_space<semaphore_mem>>) src(%dma_wait3A_18 : memref<632x128xf32, #tpu.memory_space<hbm>>) dst(%dma_wait3A_16 : memref<632x128xf32, #tpu.memory_space<vmem_shared>>)
      tpu.yield
    }) : () -> ()
    %eq3A = arith.constant 0 : i32
    %eq3A_1 = arith.cmpi eq, %arg0, %eq3A : i32
    %mul3A_2 = arith.constant 80 : i32
    %mul3A_3 = arith.muli %arg1, %mul3A_2 : i32
    %mul3A_4 = arith.constant 80 : i32
    %mul3A_5 = arith.muli %arg1, %mul3A_4 : i32
    %add3A = arith.constant 1280 : i32
    %add3A_6 = arith.addi %add3A, %mul3A_5 : i32
    %select_n3A = arith.select %eq3A_1, %mul3A_3, %add3A_6 : i32
    "tpu.region"() ({
      %run_scoped3A = tpu.sem_alloc : memref<!tpu.dma_semaphore, #tpu.memory_space<semaphore_mem>>
      %dma_start3A = arith.constant 0 : i32
      %dma_start3A_13 = arith.constant 0 : i32
      %dma_start3A_14 = tpu.memref_slice %arg7[%dma_start3A, %dma_start3A_13] : memref<80x128xi32, #tpu.memory_space<vmem>> -> memref<80x128xi32, #tpu.memory_space<vmem>>
      %dma_start3A_15 = arith.constant 0 : i32
      %dma_start3A_16 = tpu.memref_slice %arg3[%select_n3A, %dma_start3A_15] : memref<2560x128xi32, #tpu.memory_space<hbm>> -> memref<80x128xi32, #tpu.memory_space<hbm>>
      %dma_start3A_17 = arith.constant 0 : i32
      %dma_start3A_18 = arith.constant 0 : i32
      %dma_start3A_19 = tpu.memref_slice %arg7[%dma_start3A_17, %dma_start3A_18] : memref<80x128xi32, #tpu.memory_space<vmem>> -> memref<80x128xi32, #tpu.memory_space<vmem>>
      %dma_start3A_20 = arith.constant 0 : i32
      %dma_start3A_21 = tpu.memref_slice %arg3[%select_n3A, %dma_start3A_20] : memref<2560x128xi32, #tpu.memory_space<hbm>> -> memref<80x128xi32, #tpu.memory_space<hbm>>
      tpu.enqueue_dma source(%dma_start3A_21 : memref<80x128xi32, #tpu.memory_space<hbm>>) target(%dma_start3A_19 : memref<80x128xi32, #tpu.memory_space<vmem>>) target_semaphore(%run_scoped3A : memref<!tpu.dma_semaphore, #tpu.memory_space<semaphore_mem>>)
      %dma_wait3A = arith.constant 0 : i32
      %dma_wait3A_22 = arith.constant 0 : i32
      %dma_wait3A_23 = tpu.memref_slice %arg7[%dma_wait3A, %dma_wait3A_22] : memref<80x128xi32, #tpu.memory_space<vmem>> -> memref<80x128xi32, #tpu.memory_space<vmem>>
      %dma_wait3A_24 = arith.constant 0 : i32
      %dma_wait3A_25 = tpu.memref_slice %arg3[%select_n3A, %dma_wait3A_24] : memref<2560x128xi32, #tpu.memory_space<hbm>> -> memref<80x128xi32, #tpu.memory_space<hbm>>
      %dma_wait3A_26 = arith.constant 0 : i32
      %dma_wait3A_27 = arith.constant 0 : i32
      %dma_wait3A_28 = tpu.memref_slice %arg7[%dma_wait3A_26, %dma_wait3A_27] : memref<80x128xi32, #tpu.memory_space<vmem>> -> memref<80x128xi32, #tpu.memory_space<vmem>>
      %dma_wait3A_29 = arith.constant 0 : i32
      %dma_wait3A_30 = tpu.memref_slice %arg3[%select_n3A, %dma_wait3A_29] : memref<2560x128xi32, #tpu.memory_space<hbm>> -> memref<80x128xi32, #tpu.memory_space<hbm>>
      tpu.wait_dma2 semaphore(%run_scoped3A : memref<!tpu.dma_semaphore, #tpu.memory_space<semaphore_mem>>) src(%dma_wait3A_30 : memref<80x128xi32, #tpu.memory_space<hbm>>) dst(%dma_wait3A_28 : memref<80x128xi32, #tpu.memory_space<vmem>>)
      tpu.yield
    }) : () -> ()
    "tpu.region"() ({
      %run_scoped3A = tpu.sem_alloc : memref<!tpu.dma_semaphore, #tpu.memory_space<semaphore_mem>>
      %dma_start3A = arith.constant 0 : i32
      %dma_start3A_13 = arith.constant 0 : i32
      %dma_start3A_14 = tpu.memref_slice %arg8[%dma_start3A, %dma_start3A_13] : memref<80x128xi32, #tpu.memory_space<vmem>> -> memref<80x128xi32, #tpu.memory_space<vmem>>
      %dma_start3A_15 = arith.constant 0 : i32
      %dma_start3A_16 = tpu.memref_slice %arg4[%select_n3A, %dma_start3A_15] : memref<2560x128xi32, #tpu.memory_space<hbm>> -> memref<80x128xi32, #tpu.memory_space<hbm>>
      %dma_start3A_17 = arith.constant 0 : i32
      %dma_start3A_18 = arith.constant 0 : i32
      %dma_start3A_19 = tpu.memref_slice %arg8[%dma_start3A_17, %dma_start3A_18] : memref<80x128xi32, #tpu.memory_space<vmem>> -> memref<80x128xi32, #tpu.memory_space<vmem>>
      %dma_start3A_20 = arith.constant 0 : i32
      %dma_start3A_21 = tpu.memref_slice %arg4[%select_n3A, %dma_start3A_20] : memref<2560x128xi32, #tpu.memory_space<hbm>> -> memref<80x128xi32, #tpu.memory_space<hbm>>
      tpu.enqueue_dma source(%dma_start3A_21 : memref<80x128xi32, #tpu.memory_space<hbm>>) target(%dma_start3A_19 : memref<80x128xi32, #tpu.memory_space<vmem>>) target_semaphore(%run_scoped3A : memref<!tpu.dma_semaphore, #tpu.memory_space<semaphore_mem>>)
      %dma_wait3A = arith.constant 0 : i32
      %dma_wait3A_22 = arith.constant 0 : i32
      %dma_wait3A_23 = tpu.memref_slice %arg8[%dma_wait3A, %dma_wait3A_22] : memref<80x128xi32, #tpu.memory_space<vmem>> -> memref<80x128xi32, #tpu.memory_space<vmem>>
      %dma_wait3A_24 = arith.constant 0 : i32
      %dma_wait3A_25 = tpu.memref_slice %arg4[%select_n3A, %dma_wait3A_24] : memref<2560x128xi32, #tpu.memory_space<hbm>> -> memref<80x128xi32, #tpu.memory_space<hbm>>
      %dma_wait3A_26 = arith.constant 0 : i32
      %dma_wait3A_27 = arith.constant 0 : i32
      %dma_wait3A_28 = tpu.memref_slice %arg8[%dma_wait3A_26, %dma_wait3A_27] : memref<80x128xi32, #tpu.memory_space<vmem>> -> memref<80x128xi32, #tpu.memory_space<vmem>>
      %dma_wait3A_29 = arith.constant 0 : i32
      %dma_wait3A_30 = tpu.memref_slice %arg4[%select_n3A, %dma_wait3A_29] : memref<2560x128xi32, #tpu.memory_space<hbm>> -> memref<80x128xi32, #tpu.memory_space<hbm>>
      tpu.wait_dma2 semaphore(%run_scoped3A : memref<!tpu.dma_semaphore, #tpu.memory_space<semaphore_mem>>) src(%dma_wait3A_30 : memref<80x128xi32, #tpu.memory_space<hbm>>) dst(%dma_wait3A_28 : memref<80x128xi32, #tpu.memory_space<vmem>>)
      tpu.yield
    }) : () -> ()
    %barrier3A = arith.constant 0 : index
    tpu.barrier barrier_id(%barrier3A)
    %scan3A = arith.constant 0 : i32
    %scan3A_7 = arith.constant 0 : i32
    %scan3A_8 = arith.constant 80 : i32
    %scan3A_9 = arith.addi %scan3A_7, %scan3A_8 : i32
    %scan3A_10 = arith.constant 1 : i32
    scf.for %scan3A_13 = %scan3A_7 to %scan3A_9 step %scan3A_10  : i32 {
      %dma_start3A = arith.constant 0 : i32
      %dma_start3A_14 = tpu.memref_slice %arg7[%scan3A_13, %dma_start3A] : memref<80x128xi32, #tpu.memory_space<vmem>> -> memref<1x128xi32, #tpu.memory_space<vmem>>
      %dma_start3A_15 = tpu.memref_squeeze %dma_start3A_14 : memref<1x128xi32, #tpu.memory_space<vmem>> -> memref<128xi32, #tpu.memory_space<vmem>>
      %dma_start3A_16 = arith.constant 0 : i32
      %dma_start3A_17 = arith.constant 0 : i32
      %dma_start3A_18 = tpu.memref_slice %arg2[%dma_start3A_16, %dma_start3A_17] : memref<10000x128xf32, #tpu.memory_space<hbm>> -> memref<10000x128xf32, #tpu.memory_space<hbm>>
      tpu.enqueue_indirect_dma source(%dma_start3A_18 : memref<10000x128xf32, #tpu.memory_space<hbm>>) target(%arg10 : memref<128x128xf32, #tpu.memory_space<vmem>>) offsets(%dma_start3A_15 : memref<128xi32, #tpu.memory_space<vmem>>) semaphore(%arg11 : memref<!tpu.dma_semaphore, #tpu.memory_space<semaphore_mem>>)
      %dma_wait3A = arith.constant 0 : i32
      %dma_wait3A_19 = tpu.memref_slice %arg7[%scan3A_13, %dma_wait3A] : memref<80x128xi32, #tpu.memory_space<vmem>> -> memref<1x128xi32, #tpu.memory_space<vmem>>
      %dma_wait3A_20 = tpu.memref_squeeze %dma_wait3A_19 : memref<1x128xi32, #tpu.memory_space<vmem>> -> memref<128xi32, #tpu.memory_space<vmem>>
      %dma_wait3A_21 = arith.constant 0 : i32
      %dma_wait3A_22 = arith.constant 0 : i32
      %dma_wait3A_23 = tpu.memref_slice %arg2[%dma_wait3A_21, %dma_wait3A_22] : memref<10000x128xf32, #tpu.memory_space<hbm>> -> memref<10000x128xf32, #tpu.memory_space<hbm>>
      tpu.wait_indirect_dma semaphore(%arg11 : memref<!tpu.dma_semaphore, #tpu.memory_space<semaphore_mem>>) src(%dma_wait3A_23 : memref<10000x128xf32, #tpu.memory_space<hbm>>) dst(%arg10 : memref<128x128xf32, #tpu.memory_space<vmem>>)
      "tpu.region"() ({
        %run_scoped3A = tpu.sem_alloc : memref<!tpu.dma_semaphore, #tpu.memory_space<semaphore_mem>>
        %dma_start3A_24 = arith.constant 0 : i32
        %dma_start3A_25 = tpu.memref_slice %arg8[%scan3A_13, %dma_start3A_24] : memref<80x128xi32, #tpu.memory_space<vmem>> -> memref<1x128xi32, #tpu.memory_space<vmem>>
        %dma_start3A_26 = tpu.memref_squeeze %dma_start3A_25 : memref<1x128xi32, #tpu.memory_space<vmem>> -> memref<128xi32, #tpu.memory_space<vmem>>
        %dma_start3A_27 = arith.constant 0 : i32
        %dma_start3A_28 = arith.constant 0 : i32
        %dma_start3A_29 = tpu.memref_slice %arg9[%dma_start3A_27, %dma_start3A_28] : memref<10112x128xf32, #tpu.memory_space<vmem_shared>> -> memref<10112x128xf32, #tpu.memory_space<vmem_shared>>
        tpu.enqueue_indirect_dma source(%arg10 : memref<128x128xf32, #tpu.memory_space<vmem>>) target(%dma_start3A_29 : memref<10112x128xf32, #tpu.memory_space<vmem_shared>>) offsets(%dma_start3A_26 : memref<128xi32, #tpu.memory_space<vmem>>) semaphore(%run_scoped3A : memref<!tpu.dma_semaphore, #tpu.memory_space<semaphore_mem>>) {add = true}
        %dma_wait3A_30 = arith.constant 0 : i32
        %dma_wait3A_31 = tpu.memref_slice %arg8[%scan3A_13, %dma_wait3A_30] : memref<80x128xi32, #tpu.memory_space<vmem>> -> memref<1x128xi32, #tpu.memory_space<vmem>>
        %dma_wait3A_32 = tpu.memref_squeeze %dma_wait3A_31 : memref<1x128xi32, #tpu.memory_space<vmem>> -> memref<128xi32, #tpu.memory_space<vmem>>
        %dma_wait3A_33 = arith.constant 0 : i32
        %dma_wait3A_34 = arith.constant 0 : i32
        %dma_wait3A_35 = tpu.memref_slice %arg9[%dma_wait3A_33, %dma_wait3A_34] : memref<10112x128xf32, #tpu.memory_space<vmem_shared>> -> memref<10112x128xf32, #tpu.memory_space<vmem_shared>>
        tpu.wait_indirect_dma semaphore(%run_scoped3A : memref<!tpu.dma_semaphore, #tpu.memory_space<semaphore_mem>>) src(%arg10 : memref<128x128xf32, #tpu.memory_space<vmem>>) dst(%dma_wait3A_35 : memref<10112x128xf32, #tpu.memory_space<vmem_shared>>)
        tpu.yield
      }) : () -> ()
    }
    %scan3A_11 = arith.constant 80 : i32
    %barrier3A_12 = arith.constant 0 : index
    tpu.barrier barrier_id(%barrier3A_12)
    "tpu.region"() ({
      %run_scoped3A = tpu.sem_alloc : memref<!tpu.dma_semaphore, #tpu.memory_space<semaphore_mem>>
      %dma_start3A = arith.constant 0 : i32
      %dma_start3A_13 = arith.constant 0 : i32
      %dma_start3A_14 = tpu.memref_slice %arg6[%arg0, %dma_start3A, %dma_start3A_13] : memref<2x10112x128xf32, #tpu.memory_space<hbm>> -> memref<1x10112x128xf32, #tpu.memory_space<hbm>>
      %dma_start3A_15 = tpu.memref_squeeze %dma_start3A_14 : memref<1x10112x128xf32, #tpu.memory_space<hbm>> -> memref<10112x128xf32, #tpu.memory_space<hbm>>
      %dma_start3A_16 = arith.constant 0 : i32
      %dma_start3A_17 = tpu.memref_slice %dma_start3A_15[%mul3A_0, %dma_start3A_16] : memref<10112x128xf32, #tpu.memory_space<hbm>> -> memref<632x128xf32, #tpu.memory_space<hbm>>
      %dma_start3A_18 = arith.constant 0 : i32
      %dma_start3A_19 = tpu.memref_slice %arg9[%mul3A_0, %dma_start3A_18] : memref<10112x128xf32, #tpu.memory_space<vmem_shared>> -> memref<632x128xf32, #tpu.memory_space<vmem_shared>>
      tpu.enqueue_dma source(%dma_start3A_19 : memref<632x128xf32, #tpu.memory_space<vmem_shared>>) target(%dma_start3A_17 : memref<632x128xf32, #tpu.memory_space<hbm>>) target_semaphore(%run_scoped3A : memref<!tpu.dma_semaphore, #tpu.memory_space<semaphore_mem>>)
      %dma_wait3A = arith.constant 0 : i32
      %dma_wait3A_20 = arith.constant 0 : i32
      %dma_wait3A_21 = tpu.memref_slice %arg6[%arg0, %dma_wait3A, %dma_wait3A_20] : memref<2x10112x128xf32, #tpu.memory_space<hbm>> -> memref<1x10112x128xf32, #tpu.memory_space<hbm>>
      %dma_wait3A_22 = tpu.memref_squeeze %dma_wait3A_21 : memref<1x10112x128xf32, #tpu.memory_space<hbm>> -> memref<10112x128xf32, #tpu.memory_space<hbm>>
      %dma_wait3A_23 = arith.constant 0 : i32
      %dma_wait3A_24 = tpu.memref_slice %dma_wait3A_22[%mul3A_0, %dma_wait3A_23] : memref<10112x128xf32, #tpu.memory_space<hbm>> -> memref<632x128xf32, #tpu.memory_space<hbm>>
      %dma_wait3A_25 = arith.constant 0 : i32
      %dma_wait3A_26 = tpu.memref_slice %arg9[%mul3A_0, %dma_wait3A_25] : memref<10112x128xf32, #tpu.memory_space<vmem_shared>> -> memref<632x128xf32, #tpu.memory_space<vmem_shared>>
      tpu.wait_dma2 semaphore(%run_scoped3A : memref<!tpu.dma_semaphore, #tpu.memory_space<semaphore_mem>>) src(%dma_wait3A_26 : memref<632x128xf32, #tpu.memory_space<vmem_shared>>) dst(%dma_wait3A_24 : memref<632x128xf32, #tpu.memory_space<hbm>>)
      tpu.yield
    }) : () -> ()
    return
  }
}

#map = affine_map<(d0, d1) -> (0, 0)>
#map1 = affine_map<(d0, d1) -> (0, 0, 0)>
module attributes {stable_mosaic.version = 14 : i64} {
  func.func @feat_kernel(%arg0: i32, %arg1: i32, %arg2: memref<10000x128xf32, #tpu.memory_space<hbm>>, %arg3: memref<2560x128xi32, #tpu.memory_space<hbm>>, %arg4: memref<2560x128xi32, #tpu.memory_space<hbm>>, %arg5: memref<10112x128xf32, #tpu.memory_space<hbm>>, %arg6: memref<2x10112x128xf32, #tpu.memory_space<hbm>>, %arg7: memref<80x128xi32, #tpu.memory_space<vmem>>, %arg8: memref<80x128xi32, #tpu.memory_space<vmem>>, %arg9: memref<10112x128xf32, #tpu.memory_space<vmem_shared>>, %arg10: memref<128x128xf32, #tpu.memory_space<vmem>>, %arg11: memref<!tpu.dma_semaphore, #tpu.memory_space<semaphore_mem>>) attributes {dimension_semantics = [#tpu.dimension_semantics<core_parallel>, #tpu.dimension_semantics<subcore_parallel>], iteration_bounds = array<i64: 2, 16>, scalar_prefetch = 0 : i64, scratch_operands = 5 : i64, tpu.core_type = #tpu.core_type<sc_vector_subcore>, window_params = [{transform_indices = #map}, {transform_indices = #map}, {transform_indices = #map}, {transform_indices = #map}, {transform_indices = #map1}]} {
    %mul3A = arith.constant 632 : i32
    %mul3A_0 = arith.muli %arg1, %mul3A : i32
    "tpu.region"() ({
      %run_scoped3A = tpu.sem_alloc : memref<!tpu.dma_semaphore, #tpu.memory_space<semaphore_mem>>
      %dma_start3A = arith.constant 0 : i32
      %dma_start3A_13 = tpu.memref_slice %arg9[%mul3A_0, %dma_start3A] : memref<10112x128xf32, #tpu.memory_space<vmem_shared>> -> memref<632x128xf32, #tpu.memory_space<vmem_shared>>
      %dma_start3A_14 = arith.constant 0 : i32
      %dma_start3A_15 = tpu.memref_slice %arg5[%mul3A_0, %dma_start3A_14] : memref<10112x128xf32, #tpu.memory_space<hbm>> -> memref<632x128xf32, #tpu.memory_space<hbm>>
      tpu.enqueue_dma source(%dma_start3A_15 : memref<632x128xf32, #tpu.memory_space<hbm>>) target(%dma_start3A_13 : memref<632x128xf32, #tpu.memory_space<vmem_shared>>) target_semaphore(%run_scoped3A : memref<!tpu.dma_semaphore, #tpu.memory_space<semaphore_mem>>)
      %dma_wait3A = arith.constant 0 : i32
      %dma_wait3A_16 = tpu.memref_slice %arg9[%mul3A_0, %dma_wait3A] : memref<10112x128xf32, #tpu.memory_space<vmem_shared>> -> memref<632x128xf32, #tpu.memory_space<vmem_shared>>
      %dma_wait3A_17 = arith.constant 0 : i32
      %dma_wait3A_18 = tpu.memref_slice %arg5[%mul3A_0, %dma_wait3A_17] : memref<10112x128xf32, #tpu.memory_space<hbm>> -> memref<632x128xf32, #tpu.memory_space<hbm>>
      tpu.wait_dma2 semaphore(%run_scoped3A : memref<!tpu.dma_semaphore, #tpu.memory_space<semaphore_mem>>) src(%dma_wait3A_18 : memref<632x128xf32, #tpu.memory_space<hbm>>) dst(%dma_wait3A_16 : memref<632x128xf32, #tpu.memory_space<vmem_shared>>)
      tpu.yield
    }) : () -> ()
    %eq3A = arith.constant 0 : i32
    %eq3A_1 = arith.cmpi eq, %arg0, %eq3A : i32
    %mul3A_2 = arith.constant 80 : i32
    %mul3A_3 = arith.muli %arg1, %mul3A_2 : i32
    %mul3A_4 = arith.constant 80 : i32
    %mul3A_5 = arith.muli %arg1, %mul3A_4 : i32
    %add3A = arith.constant 1280 : i32
    %add3A_6 = arith.addi %add3A, %mul3A_5 : i32
    %select_n3A = arith.select %eq3A_1, %mul3A_3, %add3A_6 : i32
    "tpu.region"() ({
      %run_scoped3A = tpu.sem_alloc : memref<!tpu.dma_semaphore, #tpu.memory_space<semaphore_mem>>
      %dma_start3A = arith.constant 0 : i32
      %dma_start3A_13 = arith.constant 0 : i32
      %dma_start3A_14 = tpu.memref_slice %arg7[%dma_start3A, %dma_start3A_13] : memref<80x128xi32, #tpu.memory_space<vmem>> -> memref<80x128xi32, #tpu.memory_space<vmem>>
      %dma_start3A_15 = arith.constant 0 : i32
      %dma_start3A_16 = tpu.memref_slice %arg3[%select_n3A, %dma_start3A_15] : memref<2560x128xi32, #tpu.memory_space<hbm>> -> memref<80x128xi32, #tpu.memory_space<hbm>>
      %dma_start3A_17 = arith.constant 0 : i32
      %dma_start3A_18 = arith.constant 0 : i32
      %dma_start3A_19 = tpu.memref_slice %arg7[%dma_start3A_17, %dma_start3A_18] : memref<80x128xi32, #tpu.memory_space<vmem>> -> memref<80x128xi32, #tpu.memory_space<vmem>>
      %dma_start3A_20 = arith.constant 0 : i32
      %dma_start3A_21 = tpu.memref_slice %arg3[%select_n3A, %dma_start3A_20] : memref<2560x128xi32, #tpu.memory_space<hbm>> -> memref<80x128xi32, #tpu.memory_space<hbm>>
      tpu.enqueue_dma source(%dma_start3A_21 : memref<80x128xi32, #tpu.memory_space<hbm>>) target(%dma_start3A_19 : memref<80x128xi32, #tpu.memory_space<vmem>>) target_semaphore(%run_scoped3A : memref<!tpu.dma_semaphore, #tpu.memory_space<semaphore_mem>>)
      %dma_wait3A = arith.constant 0 : i32
      %dma_wait3A_22 = arith.constant 0 : i32
      %dma_wait3A_23 = tpu.memref_slice %arg7[%dma_wait3A, %dma_wait3A_22] : memref<80x128xi32, #tpu.memory_space<vmem>> -> memref<80x128xi32, #tpu.memory_space<vmem>>
      %dma_wait3A_24 = arith.constant 0 : i32
      %dma_wait3A_25 = tpu.memref_slice %arg3[%select_n3A, %dma_wait3A_24] : memref<2560x128xi32, #tpu.memory_space<hbm>> -> memref<80x128xi32, #tpu.memory_space<hbm>>
      %dma_wait3A_26 = arith.constant 0 : i32
      %dma_wait3A_27 = arith.constant 0 : i32
      %dma_wait3A_28 = tpu.memref_slice %arg7[%dma_wait3A_26, %dma_wait3A_27] : memref<80x128xi32, #tpu.memory_space<vmem>> -> memref<80x128xi32, #tpu.memory_space<vmem>>
      %dma_wait3A_29 = arith.constant 0 : i32
      %dma_wait3A_30 = tpu.memref_slice %arg3[%select_n3A, %dma_wait3A_29] : memref<2560x128xi32, #tpu.memory_space<hbm>> -> memref<80x128xi32, #tpu.memory_space<hbm>>
      tpu.wait_dma2 semaphore(%run_scoped3A : memref<!tpu.dma_semaphore, #tpu.memory_space<semaphore_mem>>) src(%dma_wait3A_30 : memref<80x128xi32, #tpu.memory_space<hbm>>) dst(%dma_wait3A_28 : memref<80x128xi32, #tpu.memory_space<vmem>>)
      tpu.yield
    }) : () -> ()
    "tpu.region"() ({
      %run_scoped3A = tpu.sem_alloc : memref<!tpu.dma_semaphore, #tpu.memory_space<semaphore_mem>>
      %dma_start3A = arith.constant 0 : i32
      %dma_start3A_13 = arith.constant 0 : i32
      %dma_start3A_14 = tpu.memref_slice %arg8[%dma_start3A, %dma_start3A_13] : memref<80x128xi32, #tpu.memory_space<vmem>> -> memref<80x128xi32, #tpu.memory_space<vmem>>
      %dma_start3A_15 = arith.constant 0 : i32
      %dma_start3A_16 = tpu.memref_slice %arg4[%select_n3A, %dma_start3A_15] : memref<2560x128xi32, #tpu.memory_space<hbm>> -> memref<80x128xi32, #tpu.memory_space<hbm>>
      %dma_start3A_17 = arith.constant 0 : i32
      %dma_start3A_18 = arith.constant 0 : i32
      %dma_start3A_19 = tpu.memref_slice %arg8[%dma_start3A_17, %dma_start3A_18] : memref<80x128xi32, #tpu.memory_space<vmem>> -> memref<80x128xi32, #tpu.memory_space<vmem>>
      %dma_start3A_20 = arith.constant 0 : i32
      %dma_start3A_21 = tpu.memref_slice %arg4[%select_n3A, %dma_start3A_20] : memref<2560x128xi32, #tpu.memory_space<hbm>> -> memref<80x128xi32, #tpu.memory_space<hbm>>
      tpu.enqueue_dma source(%dma_start3A_21 : memref<80x128xi32, #tpu.memory_space<hbm>>) target(%dma_start3A_19 : memref<80x128xi32, #tpu.memory_space<vmem>>) target_semaphore(%run_scoped3A : memref<!tpu.dma_semaphore, #tpu.memory_space<semaphore_mem>>)
      %dma_wait3A = arith.constant 0 : i32
      %dma_wait3A_22 = arith.constant 0 : i32
      %dma_wait3A_23 = tpu.memref_slice %arg8[%dma_wait3A, %dma_wait3A_22] : memref<80x128xi32, #tpu.memory_space<vmem>> -> memref<80x128xi32, #tpu.memory_space<vmem>>
      %dma_wait3A_24 = arith.constant 0 : i32
      %dma_wait3A_25 = tpu.memref_slice %arg4[%select_n3A, %dma_wait3A_24] : memref<2560x128xi32, #tpu.memory_space<hbm>> -> memref<80x128xi32, #tpu.memory_space<hbm>>
      %dma_wait3A_26 = arith.constant 0 : i32
      %dma_wait3A_27 = arith.constant 0 : i32
      %dma_wait3A_28 = tpu.memref_slice %arg8[%dma_wait3A_26, %dma_wait3A_27] : memref<80x128xi32, #tpu.memory_space<vmem>> -> memref<80x128xi32, #tpu.memory_space<vmem>>
      %dma_wait3A_29 = arith.constant 0 : i32
      %dma_wait3A_30 = tpu.memref_slice %arg4[%select_n3A, %dma_wait3A_29] : memref<2560x128xi32, #tpu.memory_space<hbm>> -> memref<80x128xi32, #tpu.memory_space<hbm>>
      tpu.wait_dma2 semaphore(%run_scoped3A : memref<!tpu.dma_semaphore, #tpu.memory_space<semaphore_mem>>) src(%dma_wait3A_30 : memref<80x128xi32, #tpu.memory_space<hbm>>) dst(%dma_wait3A_28 : memref<80x128xi32, #tpu.memory_space<vmem>>)
      tpu.yield
    }) : () -> ()
    %barrier3A = arith.constant 0 : index
    tpu.barrier barrier_id(%barrier3A)
    %scan3A = arith.constant 0 : i32
    %scan3A_7 = arith.constant 0 : i32
    %scan3A_8 = arith.constant 80 : i32
    %scan3A_9 = arith.addi %scan3A_7, %scan3A_8 : i32
    %scan3A_10 = arith.constant 1 : i32
    scf.for %scan3A_13 = %scan3A_7 to %scan3A_9 step %scan3A_10  : i32 {
      %dma_start3A = arith.constant 0 : i32
      %dma_start3A_14 = tpu.memref_slice %arg7[%scan3A_13, %dma_start3A] : memref<80x128xi32, #tpu.memory_space<vmem>> -> memref<1x128xi32, #tpu.memory_space<vmem>>
      %dma_start3A_15 = tpu.memref_squeeze %dma_start3A_14 : memref<1x128xi32, #tpu.memory_space<vmem>> -> memref<128xi32, #tpu.memory_space<vmem>>
      %dma_start3A_16 = arith.constant 0 : i32
      %dma_start3A_17 = arith.constant 0 : i32
      %dma_start3A_18 = tpu.memref_slice %arg2[%dma_start3A_16, %dma_start3A_17] : memref<10000x128xf32, #tpu.memory_space<hbm>> -> memref<10000x128xf32, #tpu.memory_space<hbm>>
      tpu.enqueue_indirect_dma source(%dma_start3A_18 : memref<10000x128xf32, #tpu.memory_space<hbm>>) target(%arg10 : memref<128x128xf32, #tpu.memory_space<vmem>>) offsets(%dma_start3A_15 : memref<128xi32, #tpu.memory_space<vmem>>) semaphore(%arg11 : memref<!tpu.dma_semaphore, #tpu.memory_space<semaphore_mem>>)
      %dma_wait3A = arith.constant 0 : i32
      %dma_wait3A_19 = tpu.memref_slice %arg7[%scan3A_13, %dma_wait3A] : memref<80x128xi32, #tpu.memory_space<vmem>> -> memref<1x128xi32, #tpu.memory_space<vmem>>
      %dma_wait3A_20 = tpu.memref_squeeze %dma_wait3A_19 : memref<1x128xi32, #tpu.memory_space<vmem>> -> memref<128xi32, #tpu.memory_space<vmem>>
      %dma_wait3A_21 = arith.constant 0 : i32
      %dma_wait3A_22 = arith.constant 0 : i32
      %dma_wait3A_23 = tpu.memref_slice %arg2[%dma_wait3A_21, %dma_wait3A_22] : memref<10000x128xf32, #tpu.memory_space<hbm>> -> memref<10000x128xf32, #tpu.memory_space<hbm>>
      tpu.wait_indirect_dma semaphore(%arg11 : memref<!tpu.dma_semaphore, #tpu.memory_space<semaphore_mem>>) src(%dma_wait3A_23 : memref<10000x128xf32, #tpu.memory_space<hbm>>) dst(%arg10 : memref<128x128xf32, #tpu.memory_space<vmem>>)
      "tpu.region"() ({
        %run_scoped3A = tpu.sem_alloc : memref<!tpu.dma_semaphore, #tpu.memory_space<semaphore_mem>>
        %dma_start3A_24 = arith.constant 0 : i32
        %dma_start3A_25 = tpu.memref_slice %arg8[%scan3A_13, %dma_start3A_24] : memref<80x128xi32, #tpu.memory_space<vmem>> -> memref<1x128xi32, #tpu.memory_space<vmem>>
        %dma_start3A_26 = tpu.memref_squeeze %dma_start3A_25 : memref<1x128xi32, #tpu.memory_space<vmem>> -> memref<128xi32, #tpu.memory_space<vmem>>
        %dma_start3A_27 = arith.constant 0 : i32
        %dma_start3A_28 = arith.constant 0 : i32
        %dma_start3A_29 = tpu.memref_slice %arg9[%dma_start3A_27, %dma_start3A_28] : memref<10112x128xf32, #tpu.memory_space<vmem_shared>> -> memref<10112x128xf32, #tpu.memory_space<vmem_shared>>
        tpu.enqueue_indirect_dma source(%arg10 : memref<128x128xf32, #tpu.memory_space<vmem>>) target(%dma_start3A_29 : memref<10112x128xf32, #tpu.memory_space<vmem_shared>>) offsets(%dma_start3A_26 : memref<128xi32, #tpu.memory_space<vmem>>) semaphore(%run_scoped3A : memref<!tpu.dma_semaphore, #tpu.memory_space<semaphore_mem>>) {add = true}
        %dma_wait3A_30 = arith.constant 0 : i32
        %dma_wait3A_31 = tpu.memref_slice %arg8[%scan3A_13, %dma_wait3A_30] : memref<80x128xi32, #tpu.memory_space<vmem>> -> memref<1x128xi32, #tpu.memory_space<vmem>>
        %dma_wait3A_32 = tpu.memref_squeeze %dma_wait3A_31 : memref<1x128xi32, #tpu.memory_space<vmem>> -> memref<128xi32, #tpu.memory_space<vmem>>
        %dma_wait3A_33 = arith.constant 0 : i32
        %dma_wait3A_34 = arith.constant 0 : i32
        %dma_wait3A_35 = tpu.memref_slice %arg9[%dma_wait3A_33, %dma_wait3A_34] : memref<10112x128xf32, #tpu.memory_space<vmem_shared>> -> memref<10112x128xf32, #tpu.memory_space<vmem_shared>>
        tpu.wait_indirect_dma semaphore(%run_scoped3A : memref<!tpu.dma_semaphore, #tpu.memory_space<semaphore_mem>>) src(%arg10 : memref<128x128xf32, #tpu.memory_space<vmem>>) dst(%dma_wait3A_35 : memref<10112x128xf32, #tpu.memory_space<vmem_shared>>)
        tpu.yield
      }) : () -> ()
    }
    %scan3A_11 = arith.constant 80 : i32
    %barrier3A_12 = arith.constant 0 : index
    tpu.barrier barrier_id(%barrier3A_12)
    "tpu.region"() ({
      %run_scoped3A = tpu.sem_alloc : memref<!tpu.dma_semaphore, #tpu.memory_space<semaphore_mem>>
      %dma_start3A = arith.constant 0 : i32
      %dma_start3A_13 = arith.constant 0 : i32
      %dma_start3A_14 = tpu.memref_slice %arg6[%arg0, %dma_start3A, %dma_start3A_13] : memref<2x10112x128xf32, #tpu.memory_space<hbm>> -> memref<1x10112x128xf32, #tpu.memory_space<hbm>>
      %dma_start3A_15 = tpu.memref_squeeze %dma_start3A_14 : memref<1x10112x128xf32, #tpu.memory_space<hbm>> -> memref<10112x128xf32, #tpu.memory_space<hbm>>
      %dma_start3A_16 = arith.constant 0 : i32
      %dma_start3A_17 = tpu.memref_slice %dma_start3A_15[%mul3A_0, %dma_start3A_16] : memref<10112x128xf32, #tpu.memory_space<hbm>> -> memref<632x128xf32, #tpu.memory_space<hbm>>
      %dma_start3A_18 = arith.constant 0 : i32
      %dma_start3A_19 = tpu.memref_slice %arg9[%mul3A_0, %dma_start3A_18] : memref<10112x128xf32, #tpu.memory_space<vmem_shared>> -> memref<632x128xf32, #tpu.memory_space<vmem_shared>>
      tpu.enqueue_dma source(%dma_start3A_19 : memref<632x128xf32, #tpu.memory_space<vmem_shared>>) target(%dma_start3A_17 : memref<632x128xf32, #tpu.memory_space<hbm>>) target_semaphore(%run_scoped3A : memref<!tpu.dma_semaphore, #tpu.memory_space<semaphore_mem>>)
      %dma_wait3A = arith.constant 0 : i32
      %dma_wait3A_20 = arith.constant 0 : i32
      %dma_wait3A_21 = tpu.memref_slice %arg6[%arg0, %dma_wait3A, %dma_wait3A_20] : memref<2x10112x128xf32, #tpu.memory_space<hbm>> -> memref<1x10112x128xf32, #tpu.memory_space<hbm>>
      %dma_wait3A_22 = tpu.memref_squeeze %dma_wait3A_21 : memref<1x10112x128xf32, #tpu.memory_space<hbm>> -> memref<10112x128xf32, #tpu.memory_space<hbm>>
      %dma_wait3A_23 = arith.constant 0 : i32
      %dma_wait3A_24 = tpu.memref_slice %dma_wait3A_22[%mul3A_0, %dma_wait3A_23] : memref<10112x128xf32, #tpu.memory_space<hbm>> -> memref<632x128xf32, #tpu.memory_space<hbm>>
      %dma_wait3A_25 = arith.constant 0 : i32
      %dma_wait3A_26 = tpu.memref_slice %arg9[%mul3A_0, %dma_wait3A_25] : memref<10112x128xf32, #tpu.memory_space<vmem_shared>> -> memref<632x128xf32, #tpu.memory_space<vmem_shared>>
      tpu.wait_dma2 semaphore(%run_scoped3A : memref<!tpu.dma_semaphore, #tpu.memory_space<semaphore_mem>>) src(%dma_wait3A_26 : memref<632x128xf32, #tpu.memory_space<vmem_shared>>) dst(%dma_wait3A_24 : memref<632x128xf32, #tpu.memory_space<hbm>>)
      tpu.yield
    }) : () -> ()
    return
  }
}

#map = affine_map<(d0, d1) -> (0, 0)>
#map1 = affine_map<(d0, d1) -> (0, 0, 0)>
module attributes {stable_mosaic.version = 14 : i64} {
  func.func @feat_kernel(%arg0: i32, %arg1: i32, %arg2: memref<10000x128xf32, #tpu.memory_space<hbm>>, %arg3: memref<2560x128xi32, #tpu.memory_space<hbm>>, %arg4: memref<2560x128xi32, #tpu.memory_space<hbm>>, %arg5: memref<10112x128xf32, #tpu.memory_space<hbm>>, %arg6: memref<2x10112x128xf32, #tpu.memory_space<hbm>>, %arg7: memref<80x128xi32, #tpu.memory_space<vmem>>, %arg8: memref<80x128xi32, #tpu.memory_space<vmem>>, %arg9: memref<10112x128xf32, #tpu.memory_space<vmem_shared>>, %arg10: memref<128x128xf32, #tpu.memory_space<vmem>>, %arg11: memref<!tpu.dma_semaphore, #tpu.memory_space<semaphore_mem>>) attributes {dimension_semantics = [#tpu.dimension_semantics<core_parallel>, #tpu.dimension_semantics<subcore_parallel>], iteration_bounds = array<i64: 2, 16>, scalar_prefetch = 0 : i64, scratch_operands = 5 : i64, tpu.core_type = #tpu.core_type<sc_vector_subcore>, window_params = [{transform_indices = #map}, {transform_indices = #map}, {transform_indices = #map}, {transform_indices = #map}, {transform_indices = #map1}]} {
    %mul3A = arith.constant 632 : i32
    %mul3A_0 = arith.muli %arg1, %mul3A : i32
    "tpu.region"() ({
      %run_scoped3A = tpu.sem_alloc : memref<!tpu.dma_semaphore, #tpu.memory_space<semaphore_mem>>
      %dma_start3A = arith.constant 0 : i32
      %dma_start3A_13 = tpu.memref_slice %arg9[%mul3A_0, %dma_start3A] : memref<10112x128xf32, #tpu.memory_space<vmem_shared>> -> memref<632x128xf32, #tpu.memory_space<vmem_shared>>
      %dma_start3A_14 = arith.constant 0 : i32
      %dma_start3A_15 = tpu.memref_slice %arg5[%mul3A_0, %dma_start3A_14] : memref<10112x128xf32, #tpu.memory_space<hbm>> -> memref<632x128xf32, #tpu.memory_space<hbm>>
      tpu.enqueue_dma source(%dma_start3A_15 : memref<632x128xf32, #tpu.memory_space<hbm>>) target(%dma_start3A_13 : memref<632x128xf32, #tpu.memory_space<vmem_shared>>) target_semaphore(%run_scoped3A : memref<!tpu.dma_semaphore, #tpu.memory_space<semaphore_mem>>)
      %dma_wait3A = arith.constant 0 : i32
      %dma_wait3A_16 = tpu.memref_slice %arg9[%mul3A_0, %dma_wait3A] : memref<10112x128xf32, #tpu.memory_space<vmem_shared>> -> memref<632x128xf32, #tpu.memory_space<vmem_shared>>
      %dma_wait3A_17 = arith.constant 0 : i32
      %dma_wait3A_18 = tpu.memref_slice %arg5[%mul3A_0, %dma_wait3A_17] : memref<10112x128xf32, #tpu.memory_space<hbm>> -> memref<632x128xf32, #tpu.memory_space<hbm>>
      tpu.wait_dma2 semaphore(%run_scoped3A : memref<!tpu.dma_semaphore, #tpu.memory_space<semaphore_mem>>) src(%dma_wait3A_18 : memref<632x128xf32, #tpu.memory_space<hbm>>) dst(%dma_wait3A_16 : memref<632x128xf32, #tpu.memory_space<vmem_shared>>)
      tpu.yield
    }) : () -> ()
    %eq3A = arith.constant 0 : i32
    %eq3A_1 = arith.cmpi eq, %arg0, %eq3A : i32
    %mul3A_2 = arith.constant 80 : i32
    %mul3A_3 = arith.muli %arg1, %mul3A_2 : i32
    %mul3A_4 = arith.constant 80 : i32
    %mul3A_5 = arith.muli %arg1, %mul3A_4 : i32
    %add3A = arith.constant 1280 : i32
    %add3A_6 = arith.addi %add3A, %mul3A_5 : i32
    %select_n3A = arith.select %eq3A_1, %mul3A_3, %add3A_6 : i32
    "tpu.region"() ({
      %run_scoped3A = tpu.sem_alloc : memref<!tpu.dma_semaphore, #tpu.memory_space<semaphore_mem>>
      %dma_start3A = arith.constant 0 : i32
      %dma_start3A_13 = arith.constant 0 : i32
      %dma_start3A_14 = tpu.memref_slice %arg7[%dma_start3A, %dma_start3A_13] : memref<80x128xi32, #tpu.memory_space<vmem>> -> memref<80x128xi32, #tpu.memory_space<vmem>>
      %dma_start3A_15 = arith.constant 0 : i32
      %dma_start3A_16 = tpu.memref_slice %arg3[%select_n3A, %dma_start3A_15] : memref<2560x128xi32, #tpu.memory_space<hbm>> -> memref<80x128xi32, #tpu.memory_space<hbm>>
      %dma_start3A_17 = arith.constant 0 : i32
      %dma_start3A_18 = arith.constant 0 : i32
      %dma_start3A_19 = tpu.memref_slice %arg7[%dma_start3A_17, %dma_start3A_18] : memref<80x128xi32, #tpu.memory_space<vmem>> -> memref<80x128xi32, #tpu.memory_space<vmem>>
      %dma_start3A_20 = arith.constant 0 : i32
      %dma_start3A_21 = tpu.memref_slice %arg3[%select_n3A, %dma_start3A_20] : memref<2560x128xi32, #tpu.memory_space<hbm>> -> memref<80x128xi32, #tpu.memory_space<hbm>>
      tpu.enqueue_dma source(%dma_start3A_21 : memref<80x128xi32, #tpu.memory_space<hbm>>) target(%dma_start3A_19 : memref<80x128xi32, #tpu.memory_space<vmem>>) target_semaphore(%run_scoped3A : memref<!tpu.dma_semaphore, #tpu.memory_space<semaphore_mem>>)
      %dma_wait3A = arith.constant 0 : i32
      %dma_wait3A_22 = arith.constant 0 : i32
      %dma_wait3A_23 = tpu.memref_slice %arg7[%dma_wait3A, %dma_wait3A_22] : memref<80x128xi32, #tpu.memory_space<vmem>> -> memref<80x128xi32, #tpu.memory_space<vmem>>
      %dma_wait3A_24 = arith.constant 0 : i32
      %dma_wait3A_25 = tpu.memref_slice %arg3[%select_n3A, %dma_wait3A_24] : memref<2560x128xi32, #tpu.memory_space<hbm>> -> memref<80x128xi32, #tpu.memory_space<hbm>>
      %dma_wait3A_26 = arith.constant 0 : i32
      %dma_wait3A_27 = arith.constant 0 : i32
      %dma_wait3A_28 = tpu.memref_slice %arg7[%dma_wait3A_26, %dma_wait3A_27] : memref<80x128xi32, #tpu.memory_space<vmem>> -> memref<80x128xi32, #tpu.memory_space<vmem>>
      %dma_wait3A_29 = arith.constant 0 : i32
      %dma_wait3A_30 = tpu.memref_slice %arg3[%select_n3A, %dma_wait3A_29] : memref<2560x128xi32, #tpu.memory_space<hbm>> -> memref<80x128xi32, #tpu.memory_space<hbm>>
      tpu.wait_dma2 semaphore(%run_scoped3A : memref<!tpu.dma_semaphore, #tpu.memory_space<semaphore_mem>>) src(%dma_wait3A_30 : memref<80x128xi32, #tpu.memory_space<hbm>>) dst(%dma_wait3A_28 : memref<80x128xi32, #tpu.memory_space<vmem>>)
      tpu.yield
    }) : () -> ()
    "tpu.region"() ({
      %run_scoped3A = tpu.sem_alloc : memref<!tpu.dma_semaphore, #tpu.memory_space<semaphore_mem>>
      %dma_start3A = arith.constant 0 : i32
      %dma_start3A_13 = arith.constant 0 : i32
      %dma_start3A_14 = tpu.memref_slice %arg8[%dma_start3A, %dma_start3A_13] : memref<80x128xi32, #tpu.memory_space<vmem>> -> memref<80x128xi32, #tpu.memory_space<vmem>>
      %dma_start3A_15 = arith.constant 0 : i32
      %dma_start3A_16 = tpu.memref_slice %arg4[%select_n3A, %dma_start3A_15] : memref<2560x128xi32, #tpu.memory_space<hbm>> -> memref<80x128xi32, #tpu.memory_space<hbm>>
      %dma_start3A_17 = arith.constant 0 : i32
      %dma_start3A_18 = arith.constant 0 : i32
      %dma_start3A_19 = tpu.memref_slice %arg8[%dma_start3A_17, %dma_start3A_18] : memref<80x128xi32, #tpu.memory_space<vmem>> -> memref<80x128xi32, #tpu.memory_space<vmem>>
      %dma_start3A_20 = arith.constant 0 : i32
      %dma_start3A_21 = tpu.memref_slice %arg4[%select_n3A, %dma_start3A_20] : memref<2560x128xi32, #tpu.memory_space<hbm>> -> memref<80x128xi32, #tpu.memory_space<hbm>>
      tpu.enqueue_dma source(%dma_start3A_21 : memref<80x128xi32, #tpu.memory_space<hbm>>) target(%dma_start3A_19 : memref<80x128xi32, #tpu.memory_space<vmem>>) target_semaphore(%run_scoped3A : memref<!tpu.dma_semaphore, #tpu.memory_space<semaphore_mem>>)
      %dma_wait3A = arith.constant 0 : i32
      %dma_wait3A_22 = arith.constant 0 : i32
      %dma_wait3A_23 = tpu.memref_slice %arg8[%dma_wait3A, %dma_wait3A_22] : memref<80x128xi32, #tpu.memory_space<vmem>> -> memref<80x128xi32, #tpu.memory_space<vmem>>
      %dma_wait3A_24 = arith.constant 0 : i32
      %dma_wait3A_25 = tpu.memref_slice %arg4[%select_n3A, %dma_wait3A_24] : memref<2560x128xi32, #tpu.memory_space<hbm>> -> memref<80x128xi32, #tpu.memory_space<hbm>>
      %dma_wait3A_26 = arith.constant 0 : i32
      %dma_wait3A_27 = arith.constant 0 : i32
      %dma_wait3A_28 = tpu.memref_slice %arg8[%dma_wait3A_26, %dma_wait3A_27] : memref<80x128xi32, #tpu.memory_space<vmem>> -> memref<80x128xi32, #tpu.memory_space<vmem>>
      %dma_wait3A_29 = arith.constant 0 : i32
      %dma_wait3A_30 = tpu.memref_slice %arg4[%select_n3A, %dma_wait3A_29] : memref<2560x128xi32, #tpu.memory_space<hbm>> -> memref<80x128xi32, #tpu.memory_space<hbm>>
      tpu.wait_dma2 semaphore(%run_scoped3A : memref<!tpu.dma_semaphore, #tpu.memory_space<semaphore_mem>>) src(%dma_wait3A_30 : memref<80x128xi32, #tpu.memory_space<hbm>>) dst(%dma_wait3A_28 : memref<80x128xi32, #tpu.memory_space<vmem>>)
      tpu.yield
    }) : () -> ()
    %barrier3A = arith.constant 0 : index
    tpu.barrier barrier_id(%barrier3A)
    %scan3A = arith.constant 0 : i32
    %scan3A_7 = arith.constant 0 : i32
    %scan3A_8 = arith.constant 80 : i32
    %scan3A_9 = arith.addi %scan3A_7, %scan3A_8 : i32
    %scan3A_10 = arith.constant 1 : i32
    scf.for %scan3A_13 = %scan3A_7 to %scan3A_9 step %scan3A_10  : i32 {
      %dma_start3A = arith.constant 0 : i32
      %dma_start3A_14 = tpu.memref_slice %arg7[%scan3A_13, %dma_start3A] : memref<80x128xi32, #tpu.memory_space<vmem>> -> memref<1x128xi32, #tpu.memory_space<vmem>>
      %dma_start3A_15 = tpu.memref_squeeze %dma_start3A_14 : memref<1x128xi32, #tpu.memory_space<vmem>> -> memref<128xi32, #tpu.memory_space<vmem>>
      %dma_start3A_16 = arith.constant 0 : i32
      %dma_start3A_17 = arith.constant 0 : i32
      %dma_start3A_18 = tpu.memref_slice %arg2[%dma_start3A_16, %dma_start3A_17] : memref<10000x128xf32, #tpu.memory_space<hbm>> -> memref<10000x128xf32, #tpu.memory_space<hbm>>
      tpu.enqueue_indirect_dma source(%dma_start3A_18 : memref<10000x128xf32, #tpu.memory_space<hbm>>) target(%arg10 : memref<128x128xf32, #tpu.memory_space<vmem>>) offsets(%dma_start3A_15 : memref<128xi32, #tpu.memory_space<vmem>>) semaphore(%arg11 : memref<!tpu.dma_semaphore, #tpu.memory_space<semaphore_mem>>)
      %dma_wait3A = arith.constant 0 : i32
      %dma_wait3A_19 = tpu.memref_slice %arg7[%scan3A_13, %dma_wait3A] : memref<80x128xi32, #tpu.memory_space<vmem>> -> memref<1x128xi32, #tpu.memory_space<vmem>>
      %dma_wait3A_20 = tpu.memref_squeeze %dma_wait3A_19 : memref<1x128xi32, #tpu.memory_space<vmem>> -> memref<128xi32, #tpu.memory_space<vmem>>
      %dma_wait3A_21 = arith.constant 0 : i32
      %dma_wait3A_22 = arith.constant 0 : i32
      %dma_wait3A_23 = tpu.memref_slice %arg2[%dma_wait3A_21, %dma_wait3A_22] : memref<10000x128xf32, #tpu.memory_space<hbm>> -> memref<10000x128xf32, #tpu.memory_space<hbm>>
      tpu.wait_indirect_dma semaphore(%arg11 : memref<!tpu.dma_semaphore, #tpu.memory_space<semaphore_mem>>) src(%dma_wait3A_23 : memref<10000x128xf32, #tpu.memory_space<hbm>>) dst(%arg10 : memref<128x128xf32, #tpu.memory_space<vmem>>)
      "tpu.region"() ({
        %run_scoped3A = tpu.sem_alloc : memref<!tpu.dma_semaphore, #tpu.memory_space<semaphore_mem>>
        %dma_start3A_24 = arith.constant 0 : i32
        %dma_start3A_25 = tpu.memref_slice %arg8[%scan3A_13, %dma_start3A_24] : memref<80x128xi32, #tpu.memory_space<vmem>> -> memref<1x128xi32, #tpu.memory_space<vmem>>
        %dma_start3A_26 = tpu.memref_squeeze %dma_start3A_25 : memref<1x128xi32, #tpu.memory_space<vmem>> -> memref<128xi32, #tpu.memory_space<vmem>>
        %dma_start3A_27 = arith.constant 0 : i32
        %dma_start3A_28 = arith.constant 0 : i32
        %dma_start3A_29 = tpu.memref_slice %arg9[%dma_start3A_27, %dma_start3A_28] : memref<10112x128xf32, #tpu.memory_space<vmem_shared>> -> memref<10112x128xf32, #tpu.memory_space<vmem_shared>>
        tpu.enqueue_indirect_dma source(%arg10 : memref<128x128xf32, #tpu.memory_space<vmem>>) target(%dma_start3A_29 : memref<10112x128xf32, #tpu.memory_space<vmem_shared>>) offsets(%dma_start3A_26 : memref<128xi32, #tpu.memory_space<vmem>>) semaphore(%run_scoped3A : memref<!tpu.dma_semaphore, #tpu.memory_space<semaphore_mem>>) {add = true}
        %dma_wait3A_30 = arith.constant 0 : i32
        %dma_wait3A_31 = tpu.memref_slice %arg8[%scan3A_13, %dma_wait3A_30] : memref<80x128xi32, #tpu.memory_space<vmem>> -> memref<1x128xi32, #tpu.memory_space<vmem>>
        %dma_wait3A_32 = tpu.memref_squeeze %dma_wait3A_31 : memref<1x128xi32, #tpu.memory_space<vmem>> -> memref<128xi32, #tpu.memory_space<vmem>>
        %dma_wait3A_33 = arith.constant 0 : i32
        %dma_wait3A_34 = arith.constant 0 : i32
        %dma_wait3A_35 = tpu.memref_slice %arg9[%dma_wait3A_33, %dma_wait3A_34] : memref<10112x128xf32, #tpu.memory_space<vmem_shared>> -> memref<10112x128xf32, #tpu.memory_space<vmem_shared>>
        tpu.wait_indirect_dma semaphore(%run_scoped3A : memref<!tpu.dma_semaphore, #tpu.memory_space<semaphore_mem>>) src(%arg10 : memref<128x128xf32, #tpu.memory_space<vmem>>) dst(%dma_wait3A_35 : memref<10112x128xf32, #tpu.memory_space<vmem_shared>>)
        tpu.yield
      }) : () -> ()
    }
    %scan3A_11 = arith.constant 80 : i32
    %barrier3A_12 = arith.constant 0 : index
    tpu.barrier barrier_id(%barrier3A_12)
    "tpu.region"() ({
      %run_scoped3A = tpu.sem_alloc : memref<!tpu.dma_semaphore, #tpu.memory_space<semaphore_mem>>
      %dma_start3A = arith.constant 0 : i32
      %dma_start3A_13 = arith.constant 0 : i32
      %dma_start3A_14 = tpu.memref_slice %arg6[%arg0, %dma_start3A, %dma_start3A_13] : memref<2x10112x128xf32, #tpu.memory_space<hbm>> -> memref<1x10112x128xf32, #tpu.memory_space<hbm>>
      %dma_start3A_15 = tpu.memref_squeeze %dma_start3A_14 : memref<1x10112x128xf32, #tpu.memory_space<hbm>> -> memref<10112x128xf32, #tpu.memory_space<hbm>>
      %dma_start3A_16 = arith.constant 0 : i32
      %dma_start3A_17 = tpu.memref_slice %dma_start3A_15[%mul3A_0, %dma_start3A_16] : memref<10112x128xf32, #tpu.memory_space<hbm>> -> memref<632x128xf32, #tpu.memory_space<hbm>>
      %dma_start3A_18 = arith.constant 0 : i32
      %dma_start3A_19 = tpu.memref_slice %arg9[%mul3A_0, %dma_start3A_18] : memref<10112x128xf32, #tpu.memory_space<vmem_shared>> -> memref<632x128xf32, #tpu.memory_space<vmem_shared>>
      tpu.enqueue_dma source(%dma_start3A_19 : memref<632x128xf32, #tpu.memory_space<vmem_shared>>) target(%dma_start3A_17 : memref<632x128xf32, #tpu.memory_space<hbm>>) target_semaphore(%run_scoped3A : memref<!tpu.dma_semaphore, #tpu.memory_space<semaphore_mem>>)
      %dma_wait3A = arith.constant 0 : i32
      %dma_wait3A_20 = arith.constant 0 : i32
      %dma_wait3A_21 = tpu.memref_slice %arg6[%arg0, %dma_wait3A, %dma_wait3A_20] : memref<2x10112x128xf32, #tpu.memory_space<hbm>> -> memref<1x10112x128xf32, #tpu.memory_space<hbm>>
      %dma_wait3A_22 = tpu.memref_squeeze %dma_wait3A_21 : memref<1x10112x128xf32, #tpu.memory_space<hbm>> -> memref<10112x128xf32, #tpu.memory_space<hbm>>
      %dma_wait3A_23 = arith.constant 0 : i32
      %dma_wait3A_24 = tpu.memref_slice %dma_wait3A_22[%mul3A_0, %dma_wait3A_23] : memref<10112x128xf32, #tpu.memory_space<hbm>> -> memref<632x128xf32, #tpu.memory_space<hbm>>
      %dma_wait3A_25 = arith.constant 0 : i32
      %dma_wait3A_26 = tpu.memref_slice %arg9[%mul3A_0, %dma_wait3A_25] : memref<10112x128xf32, #tpu.memory_space<vmem_shared>> -> memref<632x128xf32, #tpu.memory_space<vmem_shared>>
      tpu.wait_dma2 semaphore(%run_scoped3A : memref<!tpu.dma_semaphore, #tpu.memory_space<semaphore_mem>>) src(%dma_wait3A_26 : memref<632x128xf32, #tpu.memory_space<vmem_shared>>) dst(%dma_wait3A_24 : memref<632x128xf32, #tpu.memory_space<hbm>>)
      tpu.yield
    }) : () -> ()
    return
  }
}

module attributes {stable_mosaic.version = 14 : i64} {
  func.func @body(%arg0: memref<10000x128xf32, #tpu.memory_space<vmem>>, %arg1: memref<128x128xf32, #tpu.memory_space<vmem>>, %arg2: memref<2x10112x128xf32, #tpu.memory_space<vmem>>, %arg3: memref<10000x128xf32, #tpu.memory_space<vmem>>, %arg4: memref<10112x1xf32, #tpu.memory_space<vmem>>) attributes {dimension_semantics = [], scalar_prefetch = 0 : i64, scratch_operands = 0 : i64, tpu.core_type = #tpu.core_type<tc>} {
    %get3A = arith.constant 0 : index
    %get3A_0 = arith.constant 0 : index
    %get3A_1 = arith.constant 0 : index
    %get3A_2 = vector.load %arg2[%get3A, %get3A_0, %get3A_1] : memref<2x10112x128xf32, #tpu.memory_space<vmem>>, vector<1x10112x1xf32>
    %get3A_3 = vector.shape_cast %get3A_2 : vector<1x10112x1xf32> to vector<10112x1xf32>
    %add3A = arith.constant 1.000000e+00 : f32
    %add3A_4 = vector.broadcast %add3A : f32 to vector<10112x1xf32>
    %add3A_5 = arith.addf %add3A_4, %get3A_3 : vector<10112x1xf32>
    %get3A_6 = arith.constant 1 : index
    %get3A_7 = arith.constant 0 : index
    %get3A_8 = arith.constant 0 : index
    %get3A_9 = vector.load %arg2[%get3A_6, %get3A_7, %get3A_8] : memref<2x10112x128xf32, #tpu.memory_space<vmem>>, vector<1x10112x1xf32>
    %get3A_10 = vector.shape_cast %get3A_9 : vector<1x10112x1xf32> to vector<10112x1xf32>
    %add3A_11 = arith.addf %add3A_5, %get3A_10 : vector<10112x1xf32>
    %rsqrt3A = math.rsqrt %add3A_11 : vector<10112x1xf32>
    %swap3A = arith.constant 0 : index
    %swap3A_12 = arith.constant 0 : index
    %swap3A_13 = vector.load %arg4[%swap3A, %swap3A_12] : memref<10112x1xf32, #tpu.memory_space<vmem>>, vector<10112x1xf32>
    tpu.vector_store %arg4[%swap3A, %swap3A_12], %rsqrt3A {strides = array<i32>} : memref<10112x1xf32, #tpu.memory_space<vmem>>, vector<10112x1xf32>,
    %get3A_14 = arith.constant 0 : index
    %get3A_15 = arith.constant 0 : index
    %get3A_16 = vector.load %arg0[%get3A_14, %get3A_15] : memref<10000x128xf32, #tpu.memory_space<vmem>>, vector<10000x128xf32>
    %get3A_17 = arith.constant 0 : index
    %get3A_18 = arith.constant 0 : index
    %get3A_19 = vector.load %arg1[%get3A_17, %get3A_18] : memref<128x128xf32, #tpu.memory_space<vmem>>, vector<128x128xf32>
    %dot_general3A = arith.constant dense<0.000000e+00> : vector<10000x128xf32>
    %dot_general3A_20 = tpu.matmul %get3A_16, %get3A_19, %dot_general3A {dimension_numbers = #tpu.dot_dimension_numbers<[1], [0], [0], [1], [0, 0, 1, 1], [], []>, transpose_lhs_hint = false} : vector<10000x128xf32>, vector<128x128xf32>, vector<10000x128xf32> -> vector<10000x128xf32>
    %slice3A = vector.extract_strided_slice %rsqrt3A {offsets = [0, 0], sizes = [10000, 1], strides = [1, 1]} : vector<10112x1xf32> to vector<10000x1xf32>
    %mul3A = vector.broadcast %slice3A : vector<10000x1xf32> to vector<10000x128xf32>
    %mul3A_21 = arith.mulf %dot_general3A_20, %mul3A : vector<10000x128xf32>
    %swap3A_22 = arith.constant 0 : index
    %swap3A_23 = arith.constant 0 : index
    %swap3A_24 = vector.load %arg3[%swap3A_22, %swap3A_23] : memref<10000x128xf32, #tpu.memory_space<vmem>>, vector<10000x128xf32>
    tpu.vector_store %arg3[%swap3A_22, %swap3A_23], %mul3A_21 {strides = array<i32>} : memref<10000x128xf32, #tpu.memory_space<vmem>>, vector<10000x128xf32>,
    return
  }
}

module attributes {stable_mosaic.version = 14 : i64} {
  func.func @body(%arg0: memref<2x10112x128xf32, #tpu.memory_space<vmem>>, %arg1: memref<10000x128xf32, #tpu.memory_space<vmem>>, %arg2: memref<10112x1xf32, #tpu.memory_space<vmem>>, %arg3: memref<1x128xf32, #tpu.memory_space<vmem>>, %arg4: memref<1x128xf32, #tpu.memory_space<vmem>>, %arg5: memref<1x128xf32, #tpu.memory_space<vmem>>, %arg6: memref<128x128xf32, #tpu.memory_space<vmem>>, %arg7: memref<10000x128xf32, #tpu.memory_space<vmem>>) attributes {dimension_semantics = [], scalar_prefetch = 0 : i64, scratch_operands = 0 : i64, tpu.core_type = #tpu.core_type<tc>} {
    %get3A = arith.constant 0 : index
    %get3A_0 = arith.constant 0 : index
    %get3A_1 = vector.load %arg2[%get3A, %get3A_0] : memref<10112x1xf32, #tpu.memory_space<vmem>>, vector<10000x1xf32>
    %get3A_2 = arith.constant 0 : index
    %get3A_3 = arith.constant 0 : index
    %get3A_4 = arith.constant 0 : index
    %get3A_5 = vector.load %arg0[%get3A_2, %get3A_3, %get3A_4] : memref<2x10112x128xf32, #tpu.memory_space<vmem>>, vector<1x10000x128xf32>
    %get3A_6 = vector.shape_cast %get3A_5 : vector<1x10000x128xf32> to vector<10000x128xf32>
    %get3A_7 = arith.constant 1 : index
    %get3A_8 = arith.constant 0 : index
    %get3A_9 = arith.constant 0 : index
    %get3A_10 = vector.load %arg0[%get3A_7, %get3A_8, %get3A_9] : memref<2x10112x128xf32, #tpu.memory_space<vmem>>, vector<1x10000x128xf32>
    %get3A_11 = vector.shape_cast %get3A_10 : vector<1x10000x128xf32> to vector<10000x128xf32>
    %add3A = arith.addf %get3A_6, %get3A_11 : vector<10000x128xf32>
    %get3A_12 = arith.constant 0 : index
    %get3A_13 = arith.constant 0 : index
    %get3A_14 = vector.load %arg1[%get3A_12, %get3A_13] : memref<10000x128xf32, #tpu.memory_space<vmem>>, vector<10000x128xf32>
    %add3A_15 = arith.addf %add3A, %get3A_14 : vector<10000x128xf32>
    %mul3A = vector.broadcast %get3A_1 : vector<10000x1xf32> to vector<10000x128xf32>
    %mul3A_16 = arith.mulf %add3A_15, %mul3A : vector<10000x128xf32>
    %get3A_17 = arith.constant 0 : index
    %get3A_18 = arith.constant 0 : index
    %get3A_19 = vector.load %arg3[%get3A_17, %get3A_18] : memref<1x128xf32, #tpu.memory_space<vmem>>, vector<1x128xf32>
    %add3A_20 = vector.broadcast %get3A_19 : vector<1x128xf32> to vector<10000x128xf32>
    %add3A_21 = arith.addf %mul3A_16, %add3A_20 : vector<10000x128xf32>
    %reduce_sum3A = arith.constant dense<0.000000e+00> : vector<128xf32>
    %reduce_sum3A_22 = vector.multi_reduction <add>, %add3A_21, %reduce_sum3A [0] : vector<10000x128xf32> to vector<128xf32>
    %broadcast_in_dim3A = vector.shape_cast %reduce_sum3A_22 : vector<128xf32> to vector<1x128xf32>
    %div3A = arith.constant 1.000000e+04 : f32
    %div3A_23 = vector.broadcast %div3A : f32 to vector<1x128xf32>
    %div3A_24 = arith.divf %broadcast_in_dim3A, %div3A_23 : vector<1x128xf32>
    %sub3A = vector.broadcast %div3A_24 : vector<1x128xf32> to vector<10000x128xf32>
    %sub3A_25 = arith.subf %add3A_21, %sub3A : vector<10000x128xf32>
    %integer_pow3A = arith.mulf %sub3A_25, %sub3A_25 : vector<10000x128xf32>
    %reduce_sum3A_26 = arith.constant dense<0.000000e+00> : vector<128xf32>
    %reduce_sum3A_27 = vector.multi_reduction <add>, %integer_pow3A, %reduce_sum3A_26 [0] : vector<10000x128xf32> to vector<128xf32>
    %broadcast_in_dim3A_28 = vector.shape_cast %reduce_sum3A_27 : vector<128xf32> to vector<1x128xf32>
    %div3A_29 = arith.constant 1.000000e+04 : f32
    %div3A_30 = vector.broadcast %div3A_29 : f32 to vector<1x128xf32>
    %div3A_31 = arith.divf %broadcast_in_dim3A_28, %div3A_30 : vector<1x128xf32>
    %get3A_32 = arith.constant 0 : index
    %get3A_33 = arith.constant 0 : index
    %get3A_34 = vector.load %arg4[%get3A_32, %get3A_33] : memref<1x128xf32, #tpu.memory_space<vmem>>, vector<1x128xf32>
    %sub3A_35 = vector.broadcast %div3A_24 : vector<1x128xf32> to vector<10000x128xf32>
    %sub3A_36 = arith.subf %add3A_21, %sub3A_35 : vector<10000x128xf32>
    %mul3A_37 = vector.broadcast %get3A_34 : vector<1x128xf32> to vector<10000x128xf32>
    %mul3A_38 = arith.mulf %mul3A_37, %sub3A_36 : vector<10000x128xf32>
    %add3A_39 = arith.constant 9.99999974E-6 : f32
    %add3A_40 = vector.broadcast %add3A_39 : f32 to vector<1x128xf32>
    %add3A_41 = arith.addf %div3A_31, %add3A_40 : vector<1x128xf32>
    %rsqrt3A = math.rsqrt %add3A_41 : vector<1x128xf32>
    %mul3A_42 = vector.broadcast %rsqrt3A : vector<1x128xf32> to vector<10000x128xf32>
    %mul3A_43 = arith.mulf %mul3A_38, %mul3A_42 : vector<10000x128xf32>
    %get3A_44 = arith.constant 0 : index
    %get3A_45 = arith.constant 0 : index
    %get3A_46 = vector.load %arg5[%get3A_44, %get3A_45] : memref<1x128xf32, #tpu.memory_space<vmem>>, vector<1x128xf32>
    %add3A_47 = vector.broadcast %get3A_46 : vector<1x128xf32> to vector<10000x128xf32>
    %add3A_48 = arith.addf %mul3A_43, %add3A_47 : vector<10000x128xf32>
    %max3A = arith.constant 0.000000e+00 : f32
    %max3A_49 = vector.broadcast %max3A : f32 to vector<10000x128xf32>
    %max3A_50 = arith.maximumf %add3A_48, %max3A_49 : vector<10000x128xf32>
    %get3A_51 = arith.constant 0 : index
    %get3A_52 = arith.constant 0 : index
    %get3A_53 = vector.load %arg6[%get3A_51, %get3A_52] : memref<128x128xf32, #tpu.memory_space<vmem>>, vector<128x128xf32>
    %dot_general3A = arith.constant dense<0.000000e+00> : vector<10000x128xf32>
    %dot_general3A_54 = tpu.matmul %max3A_50, %get3A_53, %dot_general3A {dimension_numbers = #tpu.dot_dimension_numbers<[1], [0], [0], [1], [0, 0, 1, 1], [], []>, transpose_lhs_hint = false} : vector<10000x128xf32>, vector<128x128xf32>, vector<10000x128xf32> -> vector<10000x128xf32>
    %mul3A_55 = vector.broadcast %get3A_1 : vector<10000x1xf32> to vector<10000x128xf32>
    %mul3A_56 = arith.mulf %dot_general3A_54, %mul3A_55 : vector<10000x128xf32>
    %swap3A = arith.constant 0 : index
    %swap3A_57 = arith.constant 0 : index
    %swap3A_58 = vector.load %arg7[%swap3A, %swap3A_57] : memref<10000x128xf32, #tpu.memory_space<vmem>>, vector<10000x128xf32>
    tpu.vector_store %arg7[%swap3A, %swap3A_57], %mul3A_56 {strides = array<i32>} : memref<10000x128xf32, #tpu.memory_space<vmem>>, vector<10000x128xf32>,
    return
  }
}

module attributes {stable_mosaic.version = 14 : i64} {
  func.func @body(%arg0: memref<2x10112x128xf32, #tpu.memory_space<vmem>>, %arg1: memref<10000x128xf32, #tpu.memory_space<vmem>>, %arg2: memref<10112x1xf32, #tpu.memory_space<vmem>>, %arg3: memref<1x64xf32, #tpu.memory_space<vmem>>, %arg4: memref<10000x64xf32, #tpu.memory_space<vmem>>) attributes {dimension_semantics = [], scalar_prefetch = 0 : i64, scratch_operands = 0 : i64, tpu.core_type = #tpu.core_type<tc>} {
    %get3A = arith.constant 0 : index
    %get3A_0 = arith.constant 0 : index
    %get3A_1 = arith.constant 0 : index
    %get3A_2 = vector.load %arg0[%get3A, %get3A_0, %get3A_1] : memref<2x10112x128xf32, #tpu.memory_space<vmem>>, vector<1x10000x64xf32>
    %get3A_3 = vector.shape_cast %get3A_2 : vector<1x10000x64xf32> to vector<10000x64xf32>
    %get3A_4 = arith.constant 1 : index
    %get3A_5 = arith.constant 0 : index
    %get3A_6 = arith.constant 0 : index
    %get3A_7 = vector.load %arg0[%get3A_4, %get3A_5, %get3A_6] : memref<2x10112x128xf32, #tpu.memory_space<vmem>>, vector<1x10000x64xf32>
    %get3A_8 = vector.shape_cast %get3A_7 : vector<1x10000x64xf32> to vector<10000x64xf32>
    %add3A = arith.addf %get3A_3, %get3A_8 : vector<10000x64xf32>
    %get3A_9 = arith.constant 0 : index
    %get3A_10 = arith.constant 0 : index
    %get3A_11 = vector.load %arg1[%get3A_9, %get3A_10] : memref<10000x128xf32, #tpu.memory_space<vmem>>, vector<10000x64xf32>
    %add3A_12 = arith.addf %add3A, %get3A_11 : vector<10000x64xf32>
    %get3A_13 = arith.constant 0 : index
    %get3A_14 = arith.constant 0 : index
    %get3A_15 = vector.load %arg2[%get3A_13, %get3A_14] : memref<10112x1xf32, #tpu.memory_space<vmem>>, vector<10000x1xf32>
    %mul3A = vector.broadcast %get3A_15 : vector<10000x1xf32> to vector<10000x64xf32>
    %mul3A_16 = arith.mulf %add3A_12, %mul3A : vector<10000x64xf32>
    %get3A_17 = arith.constant 0 : index
    %get3A_18 = arith.constant 0 : index
    %get3A_19 = vector.load %arg3[%get3A_17, %get3A_18] : memref<1x64xf32, #tpu.memory_space<vmem>>, vector<1x64xf32>
    %add3A_20 = vector.broadcast %get3A_19 : vector<1x64xf32> to vector<10000x64xf32>
    %add3A_21 = arith.addf %mul3A_16, %add3A_20 : vector<10000x64xf32>
    %swap3A = arith.constant 0 : index
    %swap3A_22 = arith.constant 0 : index
    %swap3A_23 = vector.load %arg4[%swap3A, %swap3A_22] : memref<10000x64xf32, #tpu.memory_space<vmem>>, vector<10000x64xf32>
    tpu.vector_store %arg4[%swap3A, %swap3A_22], %add3A_21 {strides = array<i32>} : memref<10000x64xf32, #tpu.memory_space<vmem>>, vector<10000x64xf32>,
    return
  }
}

</mosaic_0001>

<sc_bundles>
// kernel: kernel.10.cloned.1.call-start
scs
__scs_entry_jumppad:
0x0: {  	(pc) =	sbr.rel $0x88, $3  }
0x1: {  	(tag) =	ssettag $0x0;
	lr =	simm.s32 $0x1  }
0x2: {  	[smem:$0x3F95] =	sst lr;
	_ =	strace $0xD0000000  }
0x3: {  	_ = 	snop  }
0x4: {  	_ = 	snop  }
0x5: {  	_ = 	snop  }
0x6: {  	_ = 	snop  }
0x7: {  	_ = 	snop  }
__scs_overlays_trampoline_lowered:
0x8: {  	[smem:$0x3FA4] =	sst s0  }
0x9: {  	[smem:$0x3FA5] =	sst s1  }
0xa: {  	[smem:$0x3FA6] =	sst s2  }
0xb: {  	[smem:$0x3FA7] =	sst s3  }
0xc: {  	[smem:$0x3FA8] =	sst s4  }
0xd: {  	[smem:$0x3FA9] =	sst s5  }
0xe: {  	[smem:$0x3FAA] =	sst s6  }
0xf: {  	[smem:$0x3FAB] =	sst s7  }
0x10: {  	[smem:$0x3FAC] =	sst s8  }
0x11: {  	[smem:$0x3FAD] =	sst s9;
	s0 =	simm.s32 @!p0 $0x0  }
0x12: {  	s1 =	sld [smem:$0x3F93];
	s0 =	simm.s32 @p0 $0x1  }
0x13: {  	[smem:$0x3FAE] =	sst s0;
	s0 =	simm.s32 @!p1 $0x0  }
0x14: {  	s2 =	sld [smem:$0x3F92];
	s0 =	simm.s32 @p1 $0x1  }
0x15: {  	[smem:$0x3FAF] =	sst s0;
	s0 =	simm.s32 @!p2 $0x0  }
0x16: {  	s3 =	sld [smem:$0x3FDB];
	s0 =	simm.s32 @p2 $0x1  }
0x17: {  	s4 =	simm.s32 $0x1BF5;
	[smem:$0x3FB1] =	sst s0  }
0x18: {  	s0 =	sld [smem:$0x3F94];
	_ =	swait.ge [sflag:s4], $0x0  }
0x19: {  	s7 =	sld [smem:$0x3F95]  }
0x1a: {  	s8 =	sadd.s32 $0xFFFFE003, lr  }
0x1b: {  	s9 =	sadd.s32 $0xFFFFFEF7, lr;
	s5 =	simm.s32 $0xFFFFFFFF;
	p2 =	slt.u32 s8, $0xFFFFF086  }
0x1c: {  	p1 =	slt.u32 s9, $0xF7A;
	s5 =	simm.s32 @!p2 $0x0  }
0x1d: {  	s5 =	simm.s32 @p1 $0x1;
	p0 =	seq.s32 s7, s2  }
0x1e: {  	s7 =	smul.u32 @!p0 $0xF7A, s2;
	p2 =	seq.s32 @!p0 s5, $0x0  }
0x1f: {  	s9 =	smul.u32 $0xF7A, s1;
	s8 =	simm.s32 @!p0 $0x1BF5;
	p2 =	por !p2, p0  }
0x20: {  	[sflag:s8] =	ssyncset.s32 @!p0 $0xFFFFF086;
	s6 =	sadd.s32 @!p0 s3, s7;
	s7 =	simm.s32 @!p0 $0x108  }
0x21: {  	s3 =	sadd.s32 s3, s9;
	s6 =	sadd.s32 @!p0 $0x88, s6;
	s7 =	simm.s32 @p2 $0x1082  }
0x22: {  	[simem:s7], [sflag:s8] =	dma.local @!p0 [hbm:s6], $0xF7A  }
0x23: {  	s9 =	sor.u32 $0xD0000000, s2;
	s6 =	simm.s32 $0x108;
	_ =	swait.ge @!p0 [sflag:s8], $0x0  }
0x24: {  	s3 =	sadd.s32 $0x88, s3;
	s6 =	simm.s32 @!p1 $0x1082;
	[sflag:s4] =	ssyncset.s32 $0xFFFFF086  }
0x25: {  	[simem:s6], [sflag:s4] =	dma.local [hbm:s3], $0xF7A  }
0x26: {  	[smem:$0x3F95] =	sst s1;
	(tag) =	ssettag s2;
	_ =	strace s9  }
0x27: {  	s1 =	sld [smem:$0x3FA5]  }
0x28: {  	s2 =	sld [smem:$0x3FA6]  }
0x29: {  	s4 =	sld [smem:$0x3FA8]  }
0x2a: {  	p0 =	seq.s32 s5, $0x0;
	s5 =	sld [smem:$0x3FA9]  }
0x2b: {  	s6 =	sld [smem:$0x3FAA]  }
0x2c: {  	s7 =	sld [smem:$0x3FAB]  }
0x2d: {  	s3 =	simm.s32 $0x108;
	s8 =	sld [smem:$0x3FAC]  }
0x2e: {  	s3 =	simm.s32 @!p0 $0x1082;
	s9 =	sld [smem:$0x3FAD]  }
0x2f: {  	lr =	sadd.s32 s0, s3;
	s0 =	sld [smem:$0x3FA4]  }
0x30: {  	s3 =	sld [smem:$0x3FA7]  }
0x31: {  	[smem:$0x3FB0] =	sst s10  }
0x32: {  	s10 =	sld [smem:$0x3FAE];
	_ =	sdelay $0x3  }
0x33: {  	p0 =	seq.s32 s10, $0x1;
	s10 =	sld [smem:$0x3FB0];
	_ =	sdelay $0x3  }
0x34: {  	[smem:$0x3FB0] =	sst s10  }
0x35: {  	s10 =	sld [smem:$0x3FAF];
	_ =	sdelay $0x3  }
0x36: {  	p1 =	seq.s32 s10, $0x1;
	s10 =	sld [smem:$0x3FB0];
	_ =	sdelay $0x3  }
0x37: {  	[smem:$0x3FB0] =	sst s10  }
0x38: {  	s10 =	sld [smem:$0x3FB1]  }
0x39: {  	_ = 	snop;
	(pc) =	sbr.ind lr, $3  }
0x3a: {  	_ = 	snop  }
0x3b: {  	_ = 	snop  }
0x3c: {  	p2 =	seq.s32 s10, $0x1;
	s10 =	sld [smem:$0x3FB0]  }
0x3d: {  	_ =	shalt  }
0x3e: {  	_ =	shalt  }
0x3f: {  	_ =	shalt  }
0x40: {  	_ =	shalt  }
0x41: {  	_ =	shalt  }
0x42: {  	_ =	shalt  }
0x43: {  	_ =	shalt  }
0x44: {  	_ =	shalt  }
0x45: {  	_ =	shalt  }
0x46: {  	_ =	shalt  }
0x47: {  	_ =	shalt  }
0x48: {  	_ =	shalt  }
0x49: {  	_ =	shalt  }
0x4a: {  	_ =	shalt  }
0x4b: {  	_ =	shalt  }
0x4c: {  	_ =	shalt  }
0x4d: {  	_ =	shalt  }
0x4e: {  	_ =	shalt  }
0x4f: {  	_ =	shalt  }
0x50: {  	_ =	shalt  }
0x51: {  	_ =	shalt  }
0x52: {  	_ =	shalt  }
0x53: {  	_ =	shalt  }
0x54: {  	_ =	shalt  }
0x55: {  	_ =	shalt  }
0x56: {  	_ =	shalt  }
0x57: {  	_ =	shalt  }
0x58: {  	_ =	shalt  }
0x59: {  	_ =	shalt  }
0x5a: {  	_ =	shalt  }
0x5b: {  	_ =	shalt  }
0x5c: {  	_ =	shalt  }
0x5d: {  	_ =	shalt  }
0x5e: {  	_ =	shalt  }
0x5f: {  	_ =	shalt  }
0x60: {  	_ =	shalt  }
0x61: {  	_ =	shalt  }
0x62: {  	_ =	shalt  }
0x63: {  	_ =	shalt  }
0x64: {  	_ =	shalt  }
0x65: {  	_ =	shalt  }
0x66: {  	_ =	shalt  }
0x67: {  	_ =	shalt  }
0x68: {  	_ =	shalt  }
0x69: {  	_ =	shalt  }
0x6a: {  	_ =	shalt  }
0x6b: {  	_ =	shalt  }
0x6c: {  	_ =	shalt  }
0x6d: {  	_ =	shalt  }
0x6e: {  	_ =	shalt  }
0x6f: {  	_ =	shalt  }
0x70: {  	_ =	shalt  }
0x71: {  	_ =	shalt  }
0x72: {  	_ =	shalt  }
0x73: {  	_ =	shalt  }
0x74: {  	_ =	shalt  }
0x75: {  	_ =	shalt  }
0x76: {  	_ =	shalt  }
0x77: {  	_ =	shalt  }
0x78: {  	_ =	shalt  }
0x79: {  	_ =	shalt  }
0x7a: {  	_ =	shalt  }
0x7b: {  	_ =	shalt  }
0x7c: {  	_ =	shalt  }
0x7d: {  	_ =	shalt  }
0x7e: {  	_ =	shalt  }
0x7f: {  	_ =	shalt  }
0x80: {  	_ =	shalt  }
0x81: {  	_ =	shalt  }
0x82: {  	_ =	shalt  }
0x83: {  	_ =	shalt  }
0x84: {  	_ =	shalt  }
0x85: {  	_ =	shalt  }
0x86: {  	_ =	shalt  }
0x87: {  	_ =	shalt  }
.Lfunc_end0:
.L_simem_size_0:
called_computation_lowered:
.L_overlay_start_0:
0x88: {  	s2 =	sld [smem:$0x3FD9]  }
0x89: {  	s3 =	sld [smem:$0x3FFE];
	_ =	sdelay $0x1  }
0x8a: {  	s1 =	srdreg.scid  }
0x8b: {  	s0 =	sand.u32 $0x1, s1  }
0x8c: {  	s16 =	sshll.u32 s0, $0xA;
	s2 =	sadd.s32 s3, s2  }
0x8d: {  	s2 =	sadd.s32 s2, s16  }
0x8e: {  	[smem:$0x3FBC] =	sst s2  }
0x8f: {  	_ = 	snop  }
0x90: {  	(tm) =	ssettm $0x1  }
0x91: {  	s17 =	sld [smem:$0x3FFB];
	_ =	sdelay $0x3  }
0x92: {  	_ =	strace s17  }
0x93: {  	s2 =	sld [smem:$0x3FFC];
	_ =	sdelay $0x3  }
0x94: {  	_ =	strace s2  }
0x95: {  	s2 =	sld [smem:$0x3FFD];
	_ =	sdelay $0x3  }
0x96: {  	_ =	strace s2  }
0x97: {  	_ =	strace $0x8FFFFFFF  }
0x98: {  	s18 =	sld [smem:$0x3FDB];
	_ =	sdelay $0x1  }
0x99: {  	s19 =	simm.s32 $_scs_section_size  }
0x9a: {  	s4 =	simm.s32 $_size__tile_overlayer_lowered;
	s5 =	simm.s32 $_tile_overlayer_lowered  }
0x9b: {  	s22 =	simm.s32 $0x1BFF;
	s21 =	sshll.u32 s5, $0x1;
	s2 =	sadd.s32 s19, s18  }
0x9c: {  	s6 =	simm.s32 $0x0;
	s20 =	sshll.u32 s4, $0x1;
	s4 =	sadd.s32 s21, s2  }
0x9d: {  	[timem:s6], [sflag:s22] =	dma.local [hbm:s4], s20  }
0x9e: {  	_ =	swait.ge [sflag:s22], s20  }
0x9f: {  	s3 =	ssub.s32 $0x0, s20;
	[sflag:s22] =	ssyncset.done $0x0  }
0xa0: {  	[sflag:s22] =	ssyncadd.s32 s3;
	_ =	sdelay $0x1  }
0xa1: {  	s23 =	simm.s32 $0x1B8B  }
0xa2: {  	_ =	swait.ge [sflag:s23], $0x1  }
0xa3: {  	[sflag:s23] =	ssyncset.done $0x0  }
0xa4: {  	s25 =	simm.s32 $0x1B8E;
	s24 =	sld [smem:$0x3FFE];
	[sflag:s23] =	ssyncadd.s32 $0xFFFFFFFF  }
0xa5: {  	s26 =	simm.s32 $execute0_lowered;
	[smem:$0x3FD2] =	sst s25  }
0xa6: {  	s4 =	sshll.u32 s26, $0x1;
	_ =	strace $0x80000046;
	[dreg:$0x1] =	wrdreg $0xFFFFFFFF  }
0xa7: {  	s28 =	simm.s32 $_size_execute0_lowered;
	s2 =	sadd.s32 s2, s4;
	[dreg:$0x0] =	wrdreg $0x0  }
0xa8: {  	s4 =	sshll.u32 s28, $0x1;
	[dreg:$0x2] =	wrdreg s2  }
0xa9: {  	[dreg:$0x3] =	wrdreg s4  }
0xaa: {  	[dreg:$0x4] =	wrdreg $0xC0  }
0xab: {  	_ =	task [dreg:s6], $0x5FFFF  }
0xac: {  	[dreg:$0x1] =	wrdreg $0xFFFFFFFF  }
0xad: {  	[dreg:$0x0] =	wrdreg $0x60  }
0xae: {  	[dreg:$0x2] =	wrdreg s24  }
0xaf: {  	[dreg:$0x3] =	wrdreg $0x68000  }
0xb0: {  	[dreg:$0x4] =	wrdreg $0x9  }
0xb1: {  	_ =	task.clear_ibuf [dreg:s6], $0x5FFFF;
	_ =	strace $0x90000046  }
0xb2: {  	s29 =	simm.s32 $0x9;
	_ =	strace $0x80000048  }
0xb3: {  	_ =	swait.ge [sflag:s29], $0x1  }
0xb4: {  	[sflag:s29] =	ssyncadd.s32 $0xFFFFFFFF  }
0xb5: {  	_ =	strace $0x90000048  }
0xb6: {  	_ =	sfence  }
0xb7: {  	s30 =	sld [smem:$0x0];
	_ =	sdelay $0x2  }
0xb8: {  	s31 =	sshll.u32 s1, $0xD;
	s1 =	sshrl.u32 s1, $0x2  }
0xb9: {  	s3 =	sand.u32 $0x4000, s31;
	s1 =	sadd.s32 s1, s30  }
0xba: {  	s0 =	sor.u32 s3, s0;
	s1 =	sshll.u32 s1, $0x11  }
0xbb: {  	s0 =	sor.u32 s1, s0  }
0xbc: {  	s0 =	sadd.s32 $0x8F2B, s0  }
0xbd: {  	[sflag:s0] =	ssyncadd.remote.s32 $0x1  }
0xbe: {  	_ =	sfence.sel $0xFFFF  }
0xbf: {  	[dreg:$0x0] =	wrdreg $0xFFFFFFFF;
	(pc) =	sbr.abs _section_cstart, $3  }
0xc0: {  	[dreg:$0x1] =	wrdreg $0xFFFFFFFF  }
0xc1: {  	_ =	task.clear_ibuf [dreg:s6], $0x2FFFF;
	_ =	strace $0x9FFFFFFF  }
0xc2: {  	(tm) =	ssettm $0x7FFFFFFF  }
0xc3: {  	_ =	shalt  }
tec
execute0_lowered:
.L_overlay_start_1:
0x0: {  	(tag) =	ssettag $0x1  }
0x1: {  	s1 =	srdreg.scid;
	s6 =	rddreg [dreg:$0x0]  }
0x2: {  	s0 =	stileid.u32;
	s2 =	rddreg [dreg:$0x1]  }
0x3: {  	s3 =	simm.s32 $0x0;
	s13 =	simm.s32 $0x1;
	s14 =	smul.u32 $0x2780, s0  }
0x4: {  	s5 =	sand.u32 $0x1, s1;
	s26 =	sshll.u32 s0, $0x1;
	s9 =	smul.u32 $0x4F000, s0  }
0x5: {  	[smem:$0x7FF] =	sst s3;
	s1 =	sor.u32 s5, s26;
	s7 =	smul.u32 $0x27800, s5  }
0x6: {  	s31 =	sshll.u32 s0, $0x6;
	s5 =	ssub.s32 $0x2, s5;
	s4 =	smul.u32 $0x500, s1  }
0x7: {  	s1 =	rddreg [dreg:$0x2];
	_ =	strace $0x80000047;
	s10 =	sadd.s32 s14, s6  }
0x8: {  	s28 =	sshrl.u32 s5, $0x1;
	s29 =	sshrl.u32 s9, $0x2;
	s11 =	sadd.s32 s7, s6  }
0x9: {  	s30 =	ssub.s32 s5, s28;
	s12 =	sadd.s32 s29, s2;
	s5 =	sadd.s32 $0xE200, s10  }
0xa: {  	s10 =	simm.s32 $0x2;
	s8 =	sadd.s32 s4, s6;
	s4 =	sadd.s32 $0xDA00, s6  }
0xb: {  	s6 =	sor.u32 $0x1C02, s31;
	s15 =	sadd.s32 $0x35A00, s11;
	s9 =	sshrl.u32 s12, $0x3  }
0xc: {  	s11 =	simm.s32 $0x2800;
	s12 =	simm.s32 $0x80;
	s7 =	sadd.s32 $0x3A00, s8  }
0xd: {  	s8 =	smax.u32 s30, $0x1;
	s14 =	sadd.s32 s14, s15;
	s15 =	simm.s32 $0x0  }
.LBB2_1:
0xe: {  	[spmem:s9], [sflag:s6] =	dma.local [hbm:s5], $0x2780  }
0xf: {  	_ =	swait.ge [sflag:s10], $0x2780  }
0x10: {  	[sflag:s10] =	ssyncset.done $0x0  }
0x11: {  	[sflag:s10] =	ssyncadd.s32 $0xFFFFD880  }
0x12: {  	[tilespmem:s3], [sflag:$0x2] =	stream.linear.gather [hbm4b:s7+s3], $0x2800, $0x38;
	[tilespmem:$0x1A400] =	vst v63  }
0x13: {  	_ =	swait.ge [sflag:s10], $0x2800  }
0x14: {  	[sflag:s10] =	ssyncset.done $0x0  }
0x15: {  	[sflag:s10] =	ssyncadd.s32 $0xFFFFD800  }
0x16: {  	[tilespmem:s11], [sflag:$0x2] =	stream.linear.gather [hbm4b:s4+s3], $0x4000, $0x38;
	[tilespmem:$0x1A400] =	vst v63  }
0x17: {  	_ =	swait.ge [sflag:s10], $0x4000  }
0x18: {  	[sflag:s10] =	ssyncset.done $0x0  }
0x19: {  	[sflag:s10] =	ssyncadd.s32 $0xFFFFC000  }
0x1a: {  	s16 =	simm.s32 $0x0;
	[bflag:$0x0] =	sbarrier.arrive $0xFFFF  }
.LBB2_2:
0x1b: {  	p0 =	sne.s32 s16, $0x9E00  }
.Ltmp0:
0x1c: {  	_ = 	snop;
	(pc) =	sbr.rel @p0 .LBB2_2-.Ltmp0, $3  }
0x1d: {  	_ =	sdelay $0x1  }
0x1e: {  	s17 =	sshra.s32 s16, $0x2;
	s16 =	sadd.s32 $0x200, s16  }
0x1f: {  	[spmem:s2] =	stream.indirect.scatter.add.f32 [tilespmem:s11], [sflag:$0x1], $0x80, s17, s12, $0xb8;
	[tilespmem:$0x1A400] =	vst v63  }
0x20: {  	_ =	swait.ge [sflag:s13], $0x4000  }
0x21: {  	s16 =	simm.s32 $0x4F;
	[sflag:s13] =	ssyncset.done $0x0  }
.LBB2_4:
0x22: {  	p0 =	sne.s32 s16, $0x1;
	s16 =	sadd.s32 $0xFFFFFFFF, s16;
	[sflag:s13] =	ssyncadd.s32 $0xFFFFC000  }
.Ltmp1:
0x23: {  	(pc) =	sbr.rel @p0 .LBB2_4-.Ltmp1, $3  }
0x24: {  	_ =	sdelay $0x1  }
0x25: {  	_ =	swait.ge [sflag:s13], $0x4000  }
0x26: {  	[sflag:s13] =	ssyncset.done $0x0  }
0x27: {  	s15 =	sadd.s32 $0x1, s15  }
0x28: {  	[sflag:s13] =	ssyncadd.s32 $0xFFFFC000;
	p0 =	sne.s32 s15, s8  }
.Ltmp2:
0x29: {  	[bflag:$0x0] =	sbarrier.arrive $0xFFFF;
	(pc) =	sbr.rel @p0 .LBB2_1-.Ltmp2, $4  }
0x2a: {  	[hbm:s14], [sflag:s6] =	dma.local [spmem:s9], $0x2780  }
0x2b: {  	_ =	swait.ge [sflag:s10], $0x2780  }
0x2c: {  	[sflag:s10] =	ssyncset.done $0x0  }
0x2d: {  	[sflag:s10] =	ssyncadd.s32 $0xFFFFD880  }
0x2e: {  	_ =	sfence.sel $0x180000  }
0x2f: {  	[bflag:$0x0] =	sbarrier.arrive $0xFFFF  }
0x30: {  	p0 =	sne.s32 s0, $0x0;
	_ =	strace $0x90000047  }
0x31: {  	s0 =	sadd.s32 @!p0 $0x100000, s1;
	[bflag:$0x2] =	sbarrier.arrive $0xFFFF  }
0x32: {  	[sflag:s0] =	ssyncadd.tile.s32 @!p0 $0x1;
	_ =	shalt  }
.Lfunc_end2:
_tile_overlayer_lowered:
.L_overlay_start_2:
0x33: {  	(tag) =	ssettag $0x2  }
0x34: {  	s0 =	rddreg [dreg:$0x0];
	s2 =	stileid.u32  }
0x35: {  	s1 =	rddreg [dreg:$0x1];
	p0 =	sne.s32 s2, $0x0  }
0x36: {  	s3 =	rddreg [dreg:$0x2];
	[bflag:$0x3] =	sbarrier.arrive $0xFFFF;
	s2 =	simm.s32 @!p0 $0x1C02  }
0x37: {  	[timem:s3], [sflag:s2] =	dma.local @!p0 [hbm:s0], s1  }
0x38: {  	s0 =	simm.s32 @!p0 $0x2  }
0x39: {  	_ =	swait.ge @!p0 [sflag:s0], s1  }
0x3a: {  	s1 =	ssub.s32 @!p0 $0x0, s1;
	[sflag:s0] =	ssyncset.done @!p0 $0x0  }
0x3b: {  	[sflag:s0] =	ssyncadd.s32 @!p0 s1  }
0x3c: {  	[bflag:$0x3] =	sbarrier.arrive $0xFFFF  }
0x3d: {  	_ =	shalt  }

// kernel: kernel.13.cloned.1.call-start
scs
__scs_entry_jumppad:
0x0: {  	(pc) =	sbr.rel $0x88, $3  }
0x1: {  	(tag) =	ssettag $0x0;
	lr =	simm.s32 $0x1  }
0x2: {  	[smem:$0x3F95] =	sst lr;
	_ =	strace $0xD0000000  }
0x3: {  	_ = 	snop  }
0x4: {  	_ = 	snop  }
0x5: {  	_ = 	snop  }
0x6: {  	_ = 	snop  }
0x7: {  	_ = 	snop  }
__scs_overlays_trampoline_lowered:
0x8: {  	[smem:$0x3FA4] =	sst s0  }
0x9: {  	[smem:$0x3FA5] =	sst s1  }
0xa: {  	[smem:$0x3FA6] =	sst s2  }
0xb: {  	[smem:$0x3FA7] =	sst s3  }
0xc: {  	[smem:$0x3FA8] =	sst s4  }
0xd: {  	[smem:$0x3FA9] =	sst s5  }
0xe: {  	[smem:$0x3FAA] =	sst s6  }
0xf: {  	[smem:$0x3FAB] =	sst s7  }
0x10: {  	[smem:$0x3FAC] =	sst s8  }
0x11: {  	[smem:$0x3FAD] =	sst s9;
	s0 =	simm.s32 @!p0 $0x0  }
0x12: {  	s1 =	sld [smem:$0x3F93];
	s0 =	simm.s32 @p0 $0x1  }
0x13: {  	[smem:$0x3FAE] =	sst s0;
	s0 =	simm.s32 @!p1 $0x0  }
0x14: {  	s2 =	sld [smem:$0x3F92];
	s0 =	simm.s32 @p1 $0x1  }
0x15: {  	[smem:$0x3FAF] =	sst s0;
	s0 =	simm.s32 @!p2 $0x0  }
0x16: {  	s3 =	sld [smem:$0x3FDB];
	s0 =	simm.s32 @p2 $0x1  }
0x17: {  	s4 =	simm.s32 $0x1BF5;
	[smem:$0x3FB1] =	sst s0  }
0x18: {  	s0 =	sld [smem:$0x3F94];
	_ =	swait.ge [sflag:s4], $0x0  }
0x19: {  	s7 =	sld [smem:$0x3F95]  }
0x1a: {  	s8 =	sadd.s32 $0xFFFFE003, lr  }
0x1b: {  	s9 =	sadd.s32 $0xFFFFFEF7, lr;
	s5 =	simm.s32 $0xFFFFFFFF;
	p2 =	slt.u32 s8, $0xFFFFF086  }
0x1c: {  	p1 =	slt.u32 s9, $0xF7A;
	s5 =	simm.s32 @!p2 $0x0  }
0x1d: {  	s5 =	simm.s32 @p1 $0x1;
	p0 =	seq.s32 s7, s2  }
0x1e: {  	s7 =	smul.u32 @!p0 $0xF7A, s2;
	p2 =	seq.s32 @!p0 s5, $0x0  }
0x1f: {  	s9 =	smul.u32 $0xF7A, s1;
	s8 =	simm.s32 @!p0 $0x1BF5;
	p2 =	por !p2, p0  }
0x20: {  	[sflag:s8] =	ssyncset.s32 @!p0 $0xFFFFF086;
	s6 =	sadd.s32 @!p0 s3, s7;
	s7 =	simm.s32 @!p0 $0x108  }
0x21: {  	s3 =	sadd.s32 s3, s9;
	s6 =	sadd.s32 @!p0 $0x88, s6;
	s7 =	simm.s32 @p2 $0x1082  }
0x22: {  	[simem:s7], [sflag:s8] =	dma.local @!p0 [hbm:s6], $0xF7A  }
0x23: {  	s9 =	sor.u32 $0xD0000000, s2;
	s6 =	simm.s32 $0x108;
	_ =	swait.ge @!p0 [sflag:s8], $0x0  }
0x24: {  	s3 =	sadd.s32 $0x88, s3;
	s6 =	simm.s32 @!p1 $0x1082;
	[sflag:s4] =	ssyncset.s32 $0xFFFFF086  }
0x25: {  	[simem:s6], [sflag:s4] =	dma.local [hbm:s3], $0xF7A  }
0x26: {  	[smem:$0x3F95] =	sst s1;
	(tag) =	ssettag s2;
	_ =	strace s9  }
0x27: {  	s1 =	sld [smem:$0x3FA5]  }
0x28: {  	s2 =	sld [smem:$0x3FA6]  }
0x29: {  	s4 =	sld [smem:$0x3FA8]  }
0x2a: {  	p0 =	seq.s32 s5, $0x0;
	s5 =	sld [smem:$0x3FA9]  }
0x2b: {  	s6 =	sld [smem:$0x3FAA]  }
0x2c: {  	s7 =	sld [smem:$0x3FAB]  }
0x2d: {  	s3 =	simm.s32 $0x108;
	s8 =	sld [smem:$0x3FAC]  }
0x2e: {  	s3 =	simm.s32 @!p0 $0x1082;
	s9 =	sld [smem:$0x3FAD]  }
0x2f: {  	lr =	sadd.s32 s0, s3;
	s0 =	sld [smem:$0x3FA4]  }
0x30: {  	s3 =	sld [smem:$0x3FA7]  }
0x31: {  	[smem:$0x3FB0] =	sst s10  }
0x32: {  	s10 =	sld [smem:$0x3FAE];
	_ =	sdelay $0x3  }
0x33: {  	p0 =	seq.s32 s10, $0x1;
	s10 =	sld [smem:$0x3FB0];
	_ =	sdelay $0x3  }
0x34: {  	[smem:$0x3FB0] =	sst s10  }
0x35: {  	s10 =	sld [smem:$0x3FAF];
	_ =	sdelay $0x3  }
0x36: {  	p1 =	seq.s32 s10, $0x1;
	s10 =	sld [smem:$0x3FB0];
	_ =	sdelay $0x3  }
0x37: {  	[smem:$0x3FB0] =	sst s10  }
0x38: {  	s10 =	sld [smem:$0x3FB1]  }
0x39: {  	_ = 	snop;
	(pc) =	sbr.ind lr, $3  }
0x3a: {  	_ = 	snop  }
0x3b: {  	_ = 	snop  }
0x3c: {  	p2 =	seq.s32 s10, $0x1;
	s10 =	sld [smem:$0x3FB0]  }
0x3d: {  	_ =	shalt  }
0x3e: {  	_ =	shalt  }
0x3f: {  	_ =	shalt  }
0x40: {  	_ =	shalt  }
0x41: {  	_ =	shalt  }
0x42: {  	_ =	shalt  }
0x43: {  	_ =	shalt  }
0x44: {  	_ =	shalt  }
0x45: {  	_ =	shalt  }
0x46: {  	_ =	shalt  }
0x47: {  	_ =	shalt  }
0x48: {  	_ =	shalt  }
0x49: {  	_ =	shalt  }
0x4a: {  	_ =	shalt  }
0x4b: {  	_ =	shalt  }
0x4c: {  	_ =	shalt  }
0x4d: {  	_ =	shalt  }
0x4e: {  	_ =	shalt  }
0x4f: {  	_ =	shalt  }
0x50: {  	_ =	shalt  }
0x51: {  	_ =	shalt  }
0x52: {  	_ =	shalt  }
0x53: {  	_ =	shalt  }
0x54: {  	_ =	shalt  }
0x55: {  	_ =	shalt  }
0x56: {  	_ =	shalt  }
0x57: {  	_ =	shalt  }
0x58: {  	_ =	shalt  }
0x59: {  	_ =	shalt  }
0x5a: {  	_ =	shalt  }
0x5b: {  	_ =	shalt  }
0x5c: {  	_ =	shalt  }
0x5d: {  	_ =	shalt  }
0x5e: {  	_ =	shalt  }
0x5f: {  	_ =	shalt  }
0x60: {  	_ =	shalt  }
0x61: {  	_ =	shalt  }
0x62: {  	_ =	shalt  }
0x63: {  	_ =	shalt  }
0x64: {  	_ =	shalt  }
0x65: {  	_ =	shalt  }
0x66: {  	_ =	shalt  }
0x67: {  	_ =	shalt  }
0x68: {  	_ =	shalt  }
0x69: {  	_ =	shalt  }
0x6a: {  	_ =	shalt  }
0x6b: {  	_ =	shalt  }
0x6c: {  	_ =	shalt  }
0x6d: {  	_ =	shalt  }
0x6e: {  	_ =	shalt  }
0x6f: {  	_ =	shalt  }
0x70: {  	_ =	shalt  }
0x71: {  	_ =	shalt  }
0x72: {  	_ =	shalt  }
0x73: {  	_ =	shalt  }
0x74: {  	_ =	shalt  }
0x75: {  	_ =	shalt  }
0x76: {  	_ =	shalt  }
0x77: {  	_ =	shalt  }
0x78: {  	_ =	shalt  }
0x79: {  	_ =	shalt  }
0x7a: {  	_ =	shalt  }
0x7b: {  	_ =	shalt  }
0x7c: {  	_ =	shalt  }
0x7d: {  	_ =	shalt  }
0x7e: {  	_ =	shalt  }
0x7f: {  	_ =	shalt  }
0x80: {  	_ =	shalt  }
0x81: {  	_ =	shalt  }
0x82: {  	_ =	shalt  }
0x83: {  	_ =	shalt  }
0x84: {  	_ =	shalt  }
0x85: {  	_ =	shalt  }
0x86: {  	_ =	shalt  }
0x87: {  	_ =	shalt  }
.Lfunc_end0:
.L_simem_size_0:
called_computation.1_lowered:
.L_overlay_start_0:
0x88: {  	s2 =	sld [smem:$0x3FD9]  }
0x89: {  	s3 =	sld [smem:$0x3FFE];
	_ =	sdelay $0x1  }
0x8a: {  	s1 =	srdreg.scid  }
0x8b: {  	s0 =	sand.u32 $0x1, s1  }
0x8c: {  	s17 =	sshll.u32 s0, $0xA;
	s2 =	sadd.s32 s3, s2  }
0x8d: {  	s2 =	sadd.s32 s2, s17  }
0x8e: {  	[smem:$0x3FBC] =	sst s2  }
0x8f: {  	_ = 	snop  }
0x90: {  	s2 =	sld [smem:$0x3FD0];
	(tm) =	ssettm $0x1  }
0x91: {  	s18 =	sld [smem:$0x3FFB];
	_ =	sdelay $0x3  }
0x92: {  	_ =	strace s18  }
0x93: {  	s3 =	sld [smem:$0x3FFC];
	_ =	sdelay $0x3  }
0x94: {  	_ =	strace s3  }
0x95: {  	s3 =	sld [smem:$0x3FFD];
	_ =	sdelay $0x3  }
0x96: {  	_ =	strace s3  }
0x97: {  	_ =	strace $0x8FFFFFFF  }
0x98: {  	s19 =	sld [smem:$0x3FDB];
	_ =	sdelay $0x1  }
0x99: {  	s4 =	simm.s32 $_scs_section_size  }
0x9a: {  	s5 =	simm.s32 $_size__tile_overlayer_lowered;
	s6 =	simm.s32 $_tile_overlayer_lowered  }
0x9b: {  	s22 =	simm.s32 $0x1BFF;
	s21 =	sshll.u32 s6, $0x1;
	s3 =	sadd.s32 s4, s19  }
0x9c: {  	s7 =	simm.s32 $0x0;
	s20 =	sshll.u32 s5, $0x1;
	s5 =	sadd.s32 s21, s3  }
0x9d: {  	[timem:s7], [sflag:s22] =	dma.local [hbm:s5], s20  }
0x9e: {  	_ =	swait.ge [sflag:s22], s20  }
0x9f: {  	s4 =	ssub.s32 $0x0, s20;
	[sflag:s22] =	ssyncset.done $0x0  }
0xa0: {  	[sflag:s22] =	ssyncadd.s32 s4;
	_ =	sdelay $0x1  }
0xa1: {  	s23 =	simm.s32 $0x1B8B  }
0xa2: {  	_ =	swait.ge [sflag:s23], $0x1  }
0xa3: {  	[sflag:s23] =	ssyncset.done $0x0  }
0xa4: {  	s25 =	simm.s32 $0x1B8E;
	s24 =	sld [smem:$0x3FFE];
	[sflag:s23] =	ssyncadd.s32 $0xFFFFFFFF  }
0xa5: {  	s26 =	simm.s32 $execute0_lowered;
	[smem:$0x3FD2] =	sst s25  }
0xa6: {  	s5 =	sshll.u32 s26, $0x1;
	_ =	strace $0x80000049;
	[dreg:$0x1] =	wrdreg $0xFFFFFFFF  }
0xa7: {  	s28 =	simm.s32 $_size_execute0_lowered;
	s3 =	sadd.s32 s3, s5;
	[dreg:$0x0] =	wrdreg $0x0  }
0xa8: {  	s5 =	sshll.u32 s28, $0x1;
	[dreg:$0x2] =	wrdreg s3  }
0xa9: {  	[dreg:$0x3] =	wrdreg s5  }
0xaa: {  	[dreg:$0x4] =	wrdreg $0xC0  }
0xab: {  	_ =	task [dreg:s7], $0x5FFFF  }
0xac: {  	[dreg:$0x1] =	wrdreg $0xFFFFFFFF  }
0xad: {  	[dreg:$0x0] =	wrdreg $0x60  }
0xae: {  	[dreg:$0x2] =	wrdreg s24  }
0xaf: {  	[dreg:$0x3] =	wrdreg s2  }
0xb0: {  	[dreg:$0x4] =	wrdreg $0x50000  }
0xb1: {  	[dreg:$0x5] =	wrdreg $0x9  }
0xb2: {  	_ =	task.clear_ibuf [dreg:s7], $0x6FFFF;
	_ =	strace $0x90000049  }
0xb3: {  	s29 =	simm.s32 $0x9;
	_ =	strace $0x8000004B  }
0xb4: {  	_ =	swait.ge [sflag:s29], $0x1  }
0xb5: {  	[sflag:s29] =	ssyncadd.s32 $0xFFFFFFFF  }
0xb6: {  	_ =	strace $0x9000004B  }
0xb7: {  	_ =	sfence  }
0xb8: {  	s30 =	sld [smem:$0x0];
	_ =	sdelay $0x2  }
0xb9: {  	s31 =	sshll.u32 s1, $0xD;
	s1 =	sshrl.u32 s1, $0x2  }
0xba: {  	s3 =	sand.u32 $0x4000, s31;
	s1 =	sadd.s32 s1, s30  }
0xbb: {  	s0 =	sor.u32 s3, s0;
	s1 =	sshll.u32 s1, $0x11  }
0xbc: {  	s0 =	sor.u32 s1, s0  }
0xbd: {  	s0 =	sadd.s32 $0x8F2B, s0  }
0xbe: {  	[sflag:s0] =	ssyncadd.remote.s32 $0x1  }
0xbf: {  	_ =	sfence.sel $0xFFFF  }
0xc0: {  	[dreg:$0x0] =	wrdreg $0xFFFFFFFF;
	(pc) =	sbr.abs _section_cstart, $3  }
0xc1: {  	[dreg:$0x1] =	wrdreg $0xFFFFFFFF  }
0xc2: {  	_ =	task.clear_ibuf [dreg:s7], $0x2FFFF;
	_ =	strace $0x9FFFFFFF  }
0xc3: {  	(tm) =	ssettm $0x7FFFFFFF  }
tec
execute0_lowered:
.L_overlay_start_1:
0x0: {  	(tag) =	ssettag $0x1  }
0x1: {  	s5 =	rddreg [dreg:$0x0]  }
0x2: {  	s7 =	rddreg [dreg:$0x1]  }
0x3: {  	s2 =	rddreg [dreg:$0x2];
	s0 =	stileid.u32  }
0x4: {  	s4 =	srdreg.scid;
	s1 =	rddreg [dreg:$0x3]  }
0x5: {  	s3 =	simm.s32 $0x0;
	s15 =	simm.s32 $0x1;
	s6 =	smul.u32 $0x2800, s0  }
0x6: {  	s8 =	sand.u32 $0x1, s4;
	[smem:$0x7FF] =	sst s3;
	s16 =	smul.u32 $0x2780, s0  }
0x7: {  	s4 =	sadd.s32 $0x35A00, s5;
	s11 =	smul.u32 $0x4F000, s0;
	s31 =	sshll.u32 s0, $0x6  }
0x8: {  	p0 =	seq.s32 s8, $0x0;
	_ =	strace $0x8000004A;
	s28 =	smul.u32 $0x27800, s8  }
0x9: {  	s8 =	ssub.s32 $0x2, s8;
	s9 =	sadd.s32 $0x28000, s6;
	s12 =	sadd.s32 s16, s5  }
0xa: {  	s29 =	sshrl.u32 s8, $0x1;
	s30 =	sshrl.u32 s11, $0x2;
	s9 =	smov.u32 @p0 s6  }
0xb: {  	s13 =	sadd.s32 s28, s5;
	s14 =	ssub.s32 s8, s29;
	s11 =	sadd.s32 s30, s2  }
0xc: {  	s6 =	sor.u32 $0x1C02, s31;
	s9 =	sshrl.u32 s9, $0x3;
	s17 =	sadd.s32 $0x5CC00, s13  }
0xd: {  	s13 =	simm.s32 $0x80;
	s10 =	sadd.s32 s9, s5;
	s5 =	sadd.s32 $0xE200, s12  }
0xe: {  	s7 =	sadd.s32 s7, s9;
	s9 =	smax.u32 s14, $0x1;
	s12 =	simm.s32 $0x2800  }
0xf: {  	s14 =	simm.s32 $0x18C00;
	s16 =	sadd.s32 s16, s17;
	s17 =	simm.s32 $0x0  }
0x10: {  	s8 =	sadd.s32 $0x3A00, s10;
	s10 =	sshrl.u32 s11, $0x3;
	s11 =	simm.s32 $0x2  }
.LBB2_1:
0x11: {  	[spmem:s10], [sflag:s6] =	dma.local [hbm:s5], $0x2780  }
0x12: {  	_ =	swait.ge [sflag:s11], $0x2780  }
0x13: {  	[sflag:s11] =	ssyncset.done $0x0  }
0x14: {  	[sflag:s11] =	ssyncadd.s32 $0xFFFFD880  }
0x15: {  	[tilespmem:s3], [sflag:$0x2] =	stream.linear.gather [hbm4b:s7+s3], $0x2800, $0x38;
	[tilespmem:$0x1CC00] =	vst v63  }
0x16: {  	_ =	swait.ge [sflag:s11], $0x2800  }
0x17: {  	[sflag:s11] =	ssyncset.done $0x0  }
0x18: {  	[sflag:s11] =	ssyncadd.s32 $0xFFFFD800  }
0x19: {  	[tilespmem:s12], [sflag:$0x2] =	stream.linear.gather [hbm4b:s8+s3], $0x2800, $0x38;
	[tilespmem:$0x1CC00] =	vst v63  }
0x1a: {  	_ =	swait.ge [sflag:s11], $0x2800  }
0x1b: {  	[sflag:s11] =	ssyncset.done $0x0  }
0x1c: {  	[sflag:s11] =	ssyncadd.s32 $0xFFFFD800  }
0x1d: {  	s18 =	simm.s32 $0x0;
	[bflag:$0x0] =	sbarrier.arrive $0xFFFF  }
0x1e: {  	[tilespmem:s14], [sflag:$0x1] =	stream.indirect.gather [hbm4b:s4+s13], $0x80, s18, s13, $0xb8;
	[tilespmem:$0x1CC00] =	vst v63  }
0x1f: {  	_ =	swait.ge [sflag:s15], $0x4000  }
0x20: {  	[sflag:s15] =	ssyncset.done $0x0  }
0x21: {  	s31 =	simm.s32 $0x2800;
	[sflag:s15] =	ssyncadd.s32 $0xFFFFC000  }
0x22: {  	[spmem:s2] =	stream.indirect.scatter.add.f32 [tilespmem:s14], [sflag:$0x2], $0x80, s31, s13, $0xb8;
	[tilespmem:$0x1CC00] =	vst v63  }
0x23: {  	_ =	swait.ge [sflag:s11], $0x4000  }
0x24: {  	s19 =	simm.s32 $0x400;
	s18 =	simm.s32 $0x200;
	[sflag:s11] =	ssyncset.done $0x0  }
.LBB2_2:
0x25: {  	s20 =	sshra.s32 s18, $0x2  }
0x26: {  	[sflag:s11] =	ssyncadd.s32 $0xFFFFC000;
	s18 =	smov.u32 s19;
	s21 =	sadd.s32 $0x200, s19  }
0x27: {  	[tilespmem:s14], [sflag:$0x1] =	stream.indirect.gather [hbm4b:s4+s13], $0x80, s20, s13, $0xb8;
	[tilespmem:$0x1CC00] =	vst v63  }
0x28: {  	p0 =	sne.s32 s19, $0x9E00;
	_ =	swait.ge [sflag:s15], $0x4000  }
.Ltmp0:
0x29: {  	[sflag:s15] =	ssyncset.done $0x0;
	(pc) =	sbr.rel @p0 .LBB2_2-.Ltmp0, $4  }
0x2a: {  	s19 =	sadd.s32 $0x2800, s20;
	[sflag:s15] =	ssyncadd.s32 $0xFFFFC000  }
0x2b: {  	[spmem:s2] =	stream.indirect.scatter.add.f32 [tilespmem:s14], [sflag:$0x2], $0x80, s19, s13, $0xb8;
	[tilespmem:$0x1CC00] =	vst v63  }
0x2c: {  	_ =	swait.ge [sflag:s11], $0x4000  }
0x2d: {  	s19 =	smov.u32 s21;
	[sflag:s11] =	ssyncset.done $0x0  }
0x2e: {  	s18 =	sshra.s32 s18, $0x2;
	[sflag:s11] =	ssyncadd.s32 $0xFFFFC000  }
0x2f: {  	[tilespmem:s14], [sflag:$0x1] =	stream.indirect.gather [hbm4b:s4+s13], $0x80, s18, s13, $0xb8;
	[tilespmem:$0x1CC00] =	vst v63  }
0x30: {  	_ =	swait.ge [sflag:s15], $0x4000  }
0x31: {  	[sflag:s15] =	ssyncset.done $0x0  }
0x32: {  	s18 =	sadd.s32 $0x2800, s18;
	[sflag:s15] =	ssyncadd.s32 $0xFFFFC000  }
0x33: {  	[spmem:s2] =	stream.indirect.scatter.add.f32 [tilespmem:s14], [sflag:$0x2], $0x80, s18, s13, $0xb8;
	[tilespmem:$0x1CC00] =	vst v63  }
0x34: {  	_ =	swait.ge [sflag:s11], $0x4000  }
0x35: {  	s17 =	sadd.s32 $0x1, s17;
	[sflag:s11] =	ssyncset.done $0x0  }
0x36: {  	p0 =	sne.s32 s17, s9;
	[sflag:s11] =	ssyncadd.s32 $0xFFFFC000  }
.Ltmp1:
0x37: {  	[bflag:$0x0] =	sbarrier.arrive $0xFFFF;
	(pc) =	sbr.rel @p0 .LBB2_1-.Ltmp1, $4  }
0x38: {  	[hbm:s16], [sflag:s6] =	dma.local [spmem:s10], $0x2780  }
0x39: {  	_ =	swait.ge [sflag:s11], $0x2780  }
0x3a: {  	[sflag:s11] =	ssyncset.done $0x0  }
0x3b: {  	[sflag:s11] =	ssyncadd.s32 $0xFFFFD880  }
0x3c: {  	_ =	sfence.sel $0x180000  }
0x3d: {  	[bflag:$0x0] =	sbarrier.arrive $0xFFFF  }
0x3e: {  	p0 =	sne.s32 s0, $0x0;
	_ =	strace $0x9000004A  }
0x3f: {  	s0 =	sadd.s32 @!p0 $0x100000, s1;
	[bflag:$0x2] =	sbarrier.arrive $0xFFFF  }
0x40: {  	[sflag:s0] =	ssyncadd.tile.s32 @!p0 $0x1;
	_ =	shalt  }
.Lfunc_end2:
_tile_overlayer_lowered:
.L_overlay_start_2:
0x41: {  	(tag) =	ssettag $0x2  }
0x42: {  	s0 =	rddreg [dreg:$0x0];
	s2 =	stileid.u32  }
0x43: {  	s1 =	rddreg [dreg:$0x1];
	p0 =	sne.s32 s2, $0x0  }
0x44: {  	s3 =	rddreg [dreg:$0x2];
	[bflag:$0x3] =	sbarrier.arrive $0xFFFF;
	s2 =	simm.s32 @!p0 $0x1C02  }
0x45: {  	[timem:s3], [sflag:s2] =	dma.local @!p0 [hbm:s0], s1  }
0x46: {  	s0 =	simm.s32 @!p0 $0x2  }
0x47: {  	_ =	swait.ge @!p0 [sflag:s0], s1  }
0x48: {  	s1 =	ssub.s32 @!p0 $0x0, s1;
	[sflag:s0] =	ssyncset.done @!p0 $0x0  }
0x49: {  	[sflag:s0] =	ssyncadd.s32 @!p0 s1  }
0x4a: {  	[bflag:$0x3] =	sbarrier.arrive $0xFFFF  }
0x4b: {  	_ =	shalt  }

// kernel: kernel.16.cloned.1.call-start
scs
__scs_entry_jumppad:
0x0: {  	(pc) =	sbr.rel $0x88, $3  }
0x1: {  	(tag) =	ssettag $0x0;
	lr =	simm.s32 $0x1  }
0x2: {  	[smem:$0x3F95] =	sst lr;
	_ =	strace $0xD0000000  }
0x3: {  	_ = 	snop  }
0x4: {  	_ = 	snop  }
0x5: {  	_ = 	snop  }
0x6: {  	_ = 	snop  }
0x7: {  	_ = 	snop  }
__scs_overlays_trampoline_lowered:
0x8: {  	[smem:$0x3FA4] =	sst s0  }
0x9: {  	[smem:$0x3FA5] =	sst s1  }
0xa: {  	[smem:$0x3FA6] =	sst s2  }
0xb: {  	[smem:$0x3FA7] =	sst s3  }
0xc: {  	[smem:$0x3FA8] =	sst s4  }
0xd: {  	[smem:$0x3FA9] =	sst s5  }
0xe: {  	[smem:$0x3FAA] =	sst s6  }
0xf: {  	[smem:$0x3FAB] =	sst s7  }
0x10: {  	[smem:$0x3FAC] =	sst s8  }
0x11: {  	[smem:$0x3FAD] =	sst s9;
	s0 =	simm.s32 @!p0 $0x0  }
0x12: {  	s1 =	sld [smem:$0x3F93];
	s0 =	simm.s32 @p0 $0x1  }
0x13: {  	[smem:$0x3FAE] =	sst s0;
	s0 =	simm.s32 @!p1 $0x0  }
0x14: {  	s2 =	sld [smem:$0x3F92];
	s0 =	simm.s32 @p1 $0x1  }
0x15: {  	[smem:$0x3FAF] =	sst s0;
	s0 =	simm.s32 @!p2 $0x0  }
0x16: {  	s3 =	sld [smem:$0x3FDB];
	s0 =	simm.s32 @p2 $0x1  }
0x17: {  	s4 =	simm.s32 $0x1BF5;
	[smem:$0x3FB1] =	sst s0  }
0x18: {  	s0 =	sld [smem:$0x3F94];
	_ =	swait.ge [sflag:s4], $0x0  }
0x19: {  	s7 =	sld [smem:$0x3F95]  }
0x1a: {  	s8 =	sadd.s32 $0xFFFFE003, lr  }
0x1b: {  	s9 =	sadd.s32 $0xFFFFFEF7, lr;
	s5 =	simm.s32 $0xFFFFFFFF;
	p2 =	slt.u32 s8, $0xFFFFF086  }
0x1c: {  	p1 =	slt.u32 s9, $0xF7A;
	s5 =	simm.s32 @!p2 $0x0  }
0x1d: {  	s5 =	simm.s32 @p1 $0x1;
	p0 =	seq.s32 s7, s2  }
0x1e: {  	s7 =	smul.u32 @!p0 $0xF7A, s2;
	p2 =	seq.s32 @!p0 s5, $0x0  }
0x1f: {  	s9 =	smul.u32 $0xF7A, s1;
	s8 =	simm.s32 @!p0 $0x1BF5;
	p2 =	por !p2, p0  }
0x20: {  	[sflag:s8] =	ssyncset.s32 @!p0 $0xFFFFF086;
	s6 =	sadd.s32 @!p0 s3, s7;
	s7 =	simm.s32 @!p0 $0x108  }
0x21: {  	s3 =	sadd.s32 s3, s9;
	s6 =	sadd.s32 @!p0 $0x88, s6;
	s7 =	simm.s32 @p2 $0x1082  }
0x22: {  	[simem:s7], [sflag:s8] =	dma.local @!p0 [hbm:s6], $0xF7A  }
0x23: {  	s9 =	sor.u32 $0xD0000000, s2;
	s6 =	simm.s32 $0x108;
	_ =	swait.ge @!p0 [sflag:s8], $0x0  }
0x24: {  	s3 =	sadd.s32 $0x88, s3;
	s6 =	simm.s32 @!p1 $0x1082;
	[sflag:s4] =	ssyncset.s32 $0xFFFFF086  }
0x25: {  	[simem:s6], [sflag:s4] =	dma.local [hbm:s3], $0xF7A  }
0x26: {  	[smem:$0x3F95] =	sst s1;
	(tag) =	ssettag s2;
	_ =	strace s9  }
0x27: {  	s1 =	sld [smem:$0x3FA5]  }
0x28: {  	s2 =	sld [smem:$0x3FA6]  }
0x29: {  	s4 =	sld [smem:$0x3FA8]  }
0x2a: {  	p0 =	seq.s32 s5, $0x0;
	s5 =	sld [smem:$0x3FA9]  }
0x2b: {  	s6 =	sld [smem:$0x3FAA]  }
0x2c: {  	s7 =	sld [smem:$0x3FAB]  }
0x2d: {  	s3 =	simm.s32 $0x108;
	s8 =	sld [smem:$0x3FAC]  }
0x2e: {  	s3 =	simm.s32 @!p0 $0x1082;
	s9 =	sld [smem:$0x3FAD]  }
0x2f: {  	lr =	sadd.s32 s0, s3;
	s0 =	sld [smem:$0x3FA4]  }
0x30: {  	s3 =	sld [smem:$0x3FA7]  }
0x31: {  	[smem:$0x3FB0] =	sst s10  }
0x32: {  	s10 =	sld [smem:$0x3FAE];
	_ =	sdelay $0x3  }
0x33: {  	p0 =	seq.s32 s10, $0x1;
	s10 =	sld [smem:$0x3FB0];
	_ =	sdelay $0x3  }
0x34: {  	[smem:$0x3FB0] =	sst s10  }
0x35: {  	s10 =	sld [smem:$0x3FAF];
	_ =	sdelay $0x3  }
0x36: {  	p1 =	seq.s32 s10, $0x1;
	s10 =	sld [smem:$0x3FB0];
	_ =	sdelay $0x3  }
0x37: {  	[smem:$0x3FB0] =	sst s10  }
0x38: {  	s10 =	sld [smem:$0x3FB1]  }
0x39: {  	_ = 	snop;
	(pc) =	sbr.ind lr, $3  }
0x3a: {  	_ = 	snop  }
0x3b: {  	_ = 	snop  }
0x3c: {  	p2 =	seq.s32 s10, $0x1;
	s10 =	sld [smem:$0x3FB0]  }
0x3d: {  	_ =	shalt  }
0x3e: {  	_ =	shalt  }
0x3f: {  	_ =	shalt  }
0x40: {  	_ =	shalt  }
0x41: {  	_ =	shalt  }
0x42: {  	_ =	shalt  }
0x43: {  	_ =	shalt  }
0x44: {  	_ =	shalt  }
0x45: {  	_ =	shalt  }
0x46: {  	_ =	shalt  }
0x47: {  	_ =	shalt  }
0x48: {  	_ =	shalt  }
0x49: {  	_ =	shalt  }
0x4a: {  	_ =	shalt  }
0x4b: {  	_ =	shalt  }
0x4c: {  	_ =	shalt  }
0x4d: {  	_ =	shalt  }
0x4e: {  	_ =	shalt  }
0x4f: {  	_ =	shalt  }
0x50: {  	_ =	shalt  }
0x51: {  	_ =	shalt  }
0x52: {  	_ =	shalt  }
0x53: {  	_ =	shalt  }
0x54: {  	_ =	shalt  }
0x55: {  	_ =	shalt  }
0x56: {  	_ =	shalt  }
0x57: {  	_ =	shalt  }
0x58: {  	_ =	shalt  }
0x59: {  	_ =	shalt  }
0x5a: {  	_ =	shalt  }
0x5b: {  	_ =	shalt  }
0x5c: {  	_ =	shalt  }
0x5d: {  	_ =	shalt  }
0x5e: {  	_ =	shalt  }
0x5f: {  	_ =	shalt  }
0x60: {  	_ =	shalt  }
0x61: {  	_ =	shalt  }
0x62: {  	_ =	shalt  }
0x63: {  	_ =	shalt  }
0x64: {  	_ =	shalt  }
0x65: {  	_ =	shalt  }
0x66: {  	_ =	shalt  }
0x67: {  	_ =	shalt  }
0x68: {  	_ =	shalt  }
0x69: {  	_ =	shalt  }
0x6a: {  	_ =	shalt  }
0x6b: {  	_ =	shalt  }
0x6c: {  	_ =	shalt  }
0x6d: {  	_ =	shalt  }
0x6e: {  	_ =	shalt  }
0x6f: {  	_ =	shalt  }
0x70: {  	_ =	shalt  }
0x71: {  	_ =	shalt  }
0x72: {  	_ =	shalt  }
0x73: {  	_ =	shalt  }
0x74: {  	_ =	shalt  }
0x75: {  	_ =	shalt  }
0x76: {  	_ =	shalt  }
0x77: {  	_ =	shalt  }
0x78: {  	_ =	shalt  }
0x79: {  	_ =	shalt  }
0x7a: {  	_ =	shalt  }
0x7b: {  	_ =	shalt  }
0x7c: {  	_ =	shalt  }
0x7d: {  	_ =	shalt  }
0x7e: {  	_ =	shalt  }
0x7f: {  	_ =	shalt  }
0x80: {  	_ =	shalt  }
0x81: {  	_ =	shalt  }
0x82: {  	_ =	shalt  }
0x83: {  	_ =	shalt  }
0x84: {  	_ =	shalt  }
0x85: {  	_ =	shalt  }
0x86: {  	_ =	shalt  }
0x87: {  	_ =	shalt  }
.Lfunc_end0:
.L_simem_size_0:
called_computation.2_lowered:
.L_overlay_start_0:
0x88: {  	s2 =	sld [smem:$0x3FD9]  }
0x89: {  	s3 =	sld [smem:$0x3FFE];
	_ =	sdelay $0x1  }
0x8a: {  	s1 =	srdreg.scid  }
0x8b: {  	s0 =	sand.u32 $0x1, s1  }
0x8c: {  	s17 =	sshll.u32 s0, $0xA;
	s2 =	sadd.s32 s3, s2  }
0x8d: {  	s2 =	sadd.s32 s2, s17  }
0x8e: {  	[smem:$0x3FBC] =	sst s2  }
0x8f: {  	_ = 	snop  }
0x90: {  	s2 =	sld [smem:$0x3FD0];
	(tm) =	ssettm $0x1  }
0x91: {  	s18 =	sld [smem:$0x3FFB];
	_ =	sdelay $0x3  }
0x92: {  	_ =	strace s18  }
0x93: {  	s3 =	sld [smem:$0x3FFC];
	_ =	sdelay $0x3  }
0x94: {  	_ =	strace s3  }
0x95: {  	s3 =	sld [smem:$0x3FFD];
	_ =	sdelay $0x3  }
0x96: {  	_ =	strace s3  }
0x97: {  	_ =	strace $0x8FFFFFFF  }
0x98: {  	s19 =	sld [smem:$0x3FDB];
	_ =	sdelay $0x1  }
0x99: {  	s4 =	simm.s32 $_scs_section_size  }
0x9a: {  	s5 =	simm.s32 $_size__tile_overlayer_lowered;
	s6 =	simm.s32 $_tile_overlayer_lowered  }
0x9b: {  	s22 =	simm.s32 $0x1BFF;
	s21 =	sshll.u32 s6, $0x1;
	s3 =	sadd.s32 s4, s19  }
0x9c: {  	s7 =	simm.s32 $0x0;
	s20 =	sshll.u32 s5, $0x1;
	s5 =	sadd.s32 s21, s3  }
0x9d: {  	[timem:s7], [sflag:s22] =	dma.local [hbm:s5], s20  }
0x9e: {  	_ =	swait.ge [sflag:s22], s20  }
0x9f: {  	s4 =	ssub.s32 $0x0, s20;
	[sflag:s22] =	ssyncset.done $0x0  }
0xa0: {  	[sflag:s22] =	ssyncadd.s32 s4;
	_ =	sdelay $0x1  }
0xa1: {  	s23 =	simm.s32 $0x1B8B  }
0xa2: {  	_ =	swait.ge [sflag:s23], $0x1  }
0xa3: {  	[sflag:s23] =	ssyncset.done $0x0  }
0xa4: {  	s25 =	simm.s32 $0x1B8E;
	s24 =	sld [smem:$0x3FFE];
	[sflag:s23] =	ssyncadd.s32 $0xFFFFFFFF  }
0xa5: {  	s26 =	simm.s32 $execute0_lowered;
	[smem:$0x3FD2] =	sst s25  }
0xa6: {  	s5 =	sshll.u32 s26, $0x1;
	_ =	strace $0x8000004C;
	[dreg:$0x1] =	wrdreg $0xFFFFFFFF  }
0xa7: {  	s28 =	simm.s32 $_size_execute0_lowered;
	s3 =	sadd.s32 s3, s5;
	[dreg:$0x0] =	wrdreg $0x0  }
0xa8: {  	s5 =	sshll.u32 s28, $0x1;
	[dreg:$0x2] =	wrdreg s3  }
0xa9: {  	[dreg:$0x3] =	wrdreg s5  }
0xaa: {  	[dreg:$0x4] =	wrdreg $0xC0  }
0xab: {  	_ =	task [dreg:s7], $0x5FFFF  }
0xac: {  	[dreg:$0x1] =	wrdreg $0xFFFFFFFF  }
0xad: {  	[dreg:$0x0] =	wrdreg $0x60  }
0xae: {  	[dreg:$0x2] =	wrdreg s24  }
0xaf: {  	[dreg:$0x3] =	wrdreg s2  }
0xb0: {  	[dreg:$0x4] =	wrdreg $0x50000  }
0xb1: {  	[dreg:$0x5] =	wrdreg $0x9  }
0xb2: {  	_ =	task.clear_ibuf [dreg:s7], $0x6FFFF;
	_ =	strace $0x9000004C  }
0xb3: {  	s29 =	simm.s32 $0x9;
	_ =	strace $0x8000004E  }
0xb4: {  	_ =	swait.ge [sflag:s29], $0x1  }
0xb5: {  	[sflag:s29] =	ssyncadd.s32 $0xFFFFFFFF  }
0xb6: {  	_ =	strace $0x9000004E  }
0xb7: {  	_ =	sfence  }
0xb8: {  	s30 =	sld [smem:$0x0];
	_ =	sdelay $0x2  }
0xb9: {  	s31 =	sshll.u32 s1, $0xD;
	s1 =	sshrl.u32 s1, $0x2  }
0xba: {  	s3 =	sand.u32 $0x4000, s31;
	s1 =	sadd.s32 s1, s30  }
0xbb: {  	s0 =	sor.u32 s3, s0;
	s1 =	sshll.u32 s1, $0x11  }
0xbc: {  	s0 =	sor.u32 s1, s0  }
0xbd: {  	s0 =	sadd.s32 $0x8F2B, s0  }
0xbe: {  	[sflag:s0] =	ssyncadd.remote.s32 $0x1  }
0xbf: {  	_ =	sfence.sel $0xFFFF  }
0xc0: {  	[dreg:$0x0] =	wrdreg $0xFFFFFFFF;
	(pc) =	sbr.abs _section_cstart, $3  }
0xc1: {  	[dreg:$0x1] =	wrdreg $0xFFFFFFFF  }
0xc2: {  	_ =	task.clear_ibuf [dreg:s7], $0x2FFFF;
	_ =	strace $0x9FFFFFFF  }
0xc3: {  	(tm) =	ssettm $0x7FFFFFFF  }
tec
execute0_lowered:
.L_overlay_start_1:
0x0: {  	(tag) =	ssettag $0x1  }
0x1: {  	s5 =	rddreg [dreg:$0x0]  }
0x2: {  	s7 =	rddreg [dreg:$0x1]  }
0x3: {  	s2 =	rddreg [dreg:$0x2];
	s0 =	stileid.u32  }
0x4: {  	s4 =	srdreg.scid;
	s1 =	rddreg [dreg:$0x3]  }
0x5: {  	s3 =	simm.s32 $0x0;
	s15 =	simm.s32 $0x1;
	s6 =	smul.u32 $0x2800, s0  }
0x6: {  	s8 =	sand.u32 $0x1, s4;
	[smem:$0x7FF] =	sst s3;
	s16 =	smul.u32 $0x2780, s0  }
0x7: {  	s4 =	sadd.s32 $0x35A00, s5;
	s11 =	smul.u32 $0x4F000, s0;
	s31 =	sshll.u32 s0, $0x6  }
0x8: {  	p0 =	seq.s32 s8, $0x0;
	_ =	strace $0x8000004D;
	s28 =	smul.u32 $0x27800, s8  }
0x9: {  	s8 =	ssub.s32 $0x2, s8;
	s9 =	sadd.s32 $0x28000, s6;
	s12 =	sadd.s32 s16, s5  }
0xa: {  	s29 =	sshrl.u32 s8, $0x1;
	s30 =	sshrl.u32 s11, $0x2;
	s9 =	smov.u32 @p0 s6  }
0xb: {  	s13 =	sadd.s32 s28, s5;
	s14 =	ssub.s32 s8, s29;
	s11 =	sadd.s32 s30, s2  }
0xc: {  	s6 =	sor.u32 $0x1C02, s31;
	s9 =	sshrl.u32 s9, $0x3;
	s17 =	sadd.s32 $0x5CC00, s13  }
0xd: {  	s13 =	simm.s32 $0x80;
	s10 =	sadd.s32 s9, s5;
	s5 =	sadd.s32 $0xE200, s12  }
0xe: {  	s7 =	sadd.s32 s7, s9;
	s9 =	smax.u32 s14, $0x1;
	s12 =	simm.s32 $0x2800  }
0xf: {  	s14 =	simm.s32 $0x18C00;
	s16 =	sadd.s32 s16, s17;
	s17 =	simm.s32 $0x0  }
0x10: {  	s8 =	sadd.s32 $0x3A00, s10;
	s10 =	sshrl.u32 s11, $0x3;
	s11 =	simm.s32 $0x2  }
.LBB2_1:
0x11: {  	[spmem:s10], [sflag:s6] =	dma.local [hbm:s5], $0x2780  }
0x12: {  	_ =	swait.ge [sflag:s11], $0x2780  }
0x13: {  	[sflag:s11] =	ssyncset.done $0x0  }
0x14: {  	[sflag:s11] =	ssyncadd.s32 $0xFFFFD880  }
0x15: {  	[tilespmem:s3], [sflag:$0x2] =	stream.linear.gather [hbm4b:s7+s3], $0x2800, $0x38;
	[tilespmem:$0x1CC00] =	vst v63  }
0x16: {  	_ =	swait.ge [sflag:s11], $0x2800  }
0x17: {  	[sflag:s11] =	ssyncset.done $0x0  }
0x18: {  	[sflag:s11] =	ssyncadd.s32 $0xFFFFD800  }
0x19: {  	[tilespmem:s12], [sflag:$0x2] =	stream.linear.gather [hbm4b:s8+s3], $0x2800, $0x38;
	[tilespmem:$0x1CC00] =	vst v63  }
0x1a: {  	_ =	swait.ge [sflag:s11], $0x2800  }
0x1b: {  	[sflag:s11] =	ssyncset.done $0x0  }
0x1c: {  	[sflag:s11] =	ssyncadd.s32 $0xFFFFD800  }
0x1d: {  	s18 =	simm.s32 $0x0;
	[bflag:$0x0] =	sbarrier.arrive $0xFFFF  }
0x1e: {  	[tilespmem:s14], [sflag:$0x1] =	stream.indirect.gather [hbm4b:s4+s13], $0x80, s18, s13, $0xb8;
	[tilespmem:$0x1CC00] =	vst v63  }
0x1f: {  	_ =	swait.ge [sflag:s15], $0x4000  }
0x20: {  	[sflag:s15] =	ssyncset.done $0x0  }
0x21: {  	s31 =	simm.s32 $0x2800;
	[sflag:s15] =	ssyncadd.s32 $0xFFFFC000  }
0x22: {  	[spmem:s2] =	stream.indirect.scatter.add.f32 [tilespmem:s14], [sflag:$0x2], $0x80, s31, s13, $0xb8;
	[tilespmem:$0x1CC00] =	vst v63  }
0x23: {  	_ =	swait.ge [sflag:s11], $0x4000  }
0x24: {  	s19 =	simm.s32 $0x400;
	s18 =	simm.s32 $0x200;
	[sflag:s11] =	ssyncset.done $0x0  }
.LBB2_2:
0x25: {  	s20 =	sshra.s32 s18, $0x2  }
0x26: {  	[sflag:s11] =	ssyncadd.s32 $0xFFFFC000;
	s18 =	smov.u32 s19;
	s21 =	sadd.s32 $0x200, s19  }
0x27: {  	[tilespmem:s14], [sflag:$0x1] =	stream.indirect.gather [hbm4b:s4+s13], $0x80, s20, s13, $0xb8;
	[tilespmem:$0x1CC00] =	vst v63  }
0x28: {  	p0 =	sne.s32 s19, $0x9E00;
	_ =	swait.ge [sflag:s15], $0x4000  }
.Ltmp0:
0x29: {  	[sflag:s15] =	ssyncset.done $0x0;
	(pc) =	sbr.rel @p0 .LBB2_2-.Ltmp0, $4  }
0x2a: {  	s19 =	sadd.s32 $0x2800, s20;
	[sflag:s15] =	ssyncadd.s32 $0xFFFFC000  }
0x2b: {  	[spmem:s2] =	stream.indirect.scatter.add.f32 [tilespmem:s14], [sflag:$0x2], $0x80, s19, s13, $0xb8;
	[tilespmem:$0x1CC00] =	vst v63  }
0x2c: {  	_ =	swait.ge [sflag:s11], $0x4000  }
0x2d: {  	s19 =	smov.u32 s21;
	[sflag:s11] =	ssyncset.done $0x0  }
0x2e: {  	s18 =	sshra.s32 s18, $0x2;
	[sflag:s11] =	ssyncadd.s32 $0xFFFFC000  }
0x2f: {  	[tilespmem:s14], [sflag:$0x1] =	stream.indirect.gather [hbm4b:s4+s13], $0x80, s18, s13, $0xb8;
	[tilespmem:$0x1CC00] =	vst v63  }
0x30: {  	_ =	swait.ge [sflag:s15], $0x4000  }
0x31: {  	[sflag:s15] =	ssyncset.done $0x0  }
0x32: {  	s18 =	sadd.s32 $0x2800, s18;
	[sflag:s15] =	ssyncadd.s32 $0xFFFFC000  }
0x33: {  	[spmem:s2] =	stream.indirect.scatter.add.f32 [tilespmem:s14], [sflag:$0x2], $0x80, s18, s13, $0xb8;
	[tilespmem:$0x1CC00] =	vst v63  }
0x34: {  	_ =	swait.ge [sflag:s11], $0x4000  }
0x35: {  	s17 =	sadd.s32 $0x1, s17;
	[sflag:s11] =	ssyncset.done $0x0  }
0x36: {  	p0 =	sne.s32 s17, s9;
	[sflag:s11] =	ssyncadd.s32 $0xFFFFC000  }
.Ltmp1:
0x37: {  	[bflag:$0x0] =	sbarrier.arrive $0xFFFF;
	(pc) =	sbr.rel @p0 .LBB2_1-.Ltmp1, $4  }
0x38: {  	[hbm:s16], [sflag:s6] =	dma.local [spmem:s10], $0x2780  }
0x39: {  	_ =	swait.ge [sflag:s11], $0x2780  }
0x3a: {  	[sflag:s11] =	ssyncset.done $0x0  }
0x3b: {  	[sflag:s11] =	ssyncadd.s32 $0xFFFFD880  }
0x3c: {  	_ =	sfence.sel $0x180000  }
0x3d: {  	[bflag:$0x0] =	sbarrier.arrive $0xFFFF  }
0x3e: {  	p0 =	sne.s32 s0, $0x0;
	_ =	strace $0x9000004D  }
0x3f: {  	s0 =	sadd.s32 @!p0 $0x100000, s1;
	[bflag:$0x2] =	sbarrier.arrive $0xFFFF  }
0x40: {  	[sflag:s0] =	ssyncadd.tile.s32 @!p0 $0x1;
	_ =	shalt  }
.Lfunc_end2:
_tile_overlayer_lowered:
.L_overlay_start_2:
0x41: {  	(tag) =	ssettag $0x2  }
0x42: {  	s0 =	rddreg [dreg:$0x0];
	s2 =	stileid.u32  }
0x43: {  	s1 =	rddreg [dreg:$0x1];
	p0 =	sne.s32 s2, $0x0  }
0x44: {  	s3 =	rddreg [dreg:$0x2];
	[bflag:$0x3] =	sbarrier.arrive $0xFFFF;
	s2 =	simm.s32 @!p0 $0x1C02  }
0x45: {  	[timem:s3], [sflag:s2] =	dma.local @!p0 [hbm:s0], s1  }
0x46: {  	s0 =	simm.s32 @!p0 $0x2  }
0x47: {  	_ =	swait.ge @!p0 [sflag:s0], s1  }
0x48: {  	s1 =	ssub.s32 @!p0 $0x0, s1;
	[sflag:s0] =	ssyncset.done @!p0 $0x0  }
0x49: {  	[sflag:s0] =	ssyncadd.s32 @!p0 s1  }
0x4a: {  	[bflag:$0x3] =	sbarrier.arrive $0xFFFF  }
0x4b: {  	_ =	shalt  }

// kernel: kernel.19.cloned.1.call-start
scs
__scs_entry_jumppad:
0x0: {  	(pc) =	sbr.rel $0x88, $3  }
0x1: {  	(tag) =	ssettag $0x0;
	lr =	simm.s32 $0x1  }
0x2: {  	[smem:$0x3F95] =	sst lr;
	_ =	strace $0xD0000000  }
0x3: {  	_ = 	snop  }
0x4: {  	_ = 	snop  }
0x5: {  	_ = 	snop  }
0x6: {  	_ = 	snop  }
0x7: {  	_ = 	snop  }
__scs_overlays_trampoline_lowered:
0x8: {  	[smem:$0x3FA4] =	sst s0  }
0x9: {  	[smem:$0x3FA5] =	sst s1  }
0xa: {  	[smem:$0x3FA6] =	sst s2  }
0xb: {  	[smem:$0x3FA7] =	sst s3  }
0xc: {  	[smem:$0x3FA8] =	sst s4  }
0xd: {  	[smem:$0x3FA9] =	sst s5  }
0xe: {  	[smem:$0x3FAA] =	sst s6  }
0xf: {  	[smem:$0x3FAB] =	sst s7  }
0x10: {  	[smem:$0x3FAC] =	sst s8  }
0x11: {  	[smem:$0x3FAD] =	sst s9;
	s0 =	simm.s32 @!p0 $0x0  }
0x12: {  	s1 =	sld [smem:$0x3F93];
	s0 =	simm.s32 @p0 $0x1  }
0x13: {  	[smem:$0x3FAE] =	sst s0;
	s0 =	simm.s32 @!p1 $0x0  }
0x14: {  	s2 =	sld [smem:$0x3F92];
	s0 =	simm.s32 @p1 $0x1  }
0x15: {  	[smem:$0x3FAF] =	sst s0;
	s0 =	simm.s32 @!p2 $0x0  }
0x16: {  	s3 =	sld [smem:$0x3FDB];
	s0 =	simm.s32 @p2 $0x1  }
0x17: {  	s4 =	simm.s32 $0x1BF5;
	[smem:$0x3FB1] =	sst s0  }
0x18: {  	s0 =	sld [smem:$0x3F94];
	_ =	swait.ge [sflag:s4], $0x0  }
0x19: {  	s7 =	sld [smem:$0x3F95]  }
0x1a: {  	s8 =	sadd.s32 $0xFFFFE003, lr  }
0x1b: {  	s9 =	sadd.s32 $0xFFFFFEF7, lr;
	s5 =	simm.s32 $0xFFFFFFFF;
	p2 =	slt.u32 s8, $0xFFFFF086  }
0x1c: {  	p1 =	slt.u32 s9, $0xF7A;
	s5 =	simm.s32 @!p2 $0x0  }
0x1d: {  	s5 =	simm.s32 @p1 $0x1;
	p0 =	seq.s32 s7, s2  }
0x1e: {  	s7 =	smul.u32 @!p0 $0xF7A, s2;
	p2 =	seq.s32 @!p0 s5, $0x0  }
0x1f: {  	s9 =	smul.u32 $0xF7A, s1;
	s8 =	simm.s32 @!p0 $0x1BF5;
	p2 =	por !p2, p0  }
0x20: {  	[sflag:s8] =	ssyncset.s32 @!p0 $0xFFFFF086;
	s6 =	sadd.s32 @!p0 s3, s7;
	s7 =	simm.s32 @!p0 $0x108  }
0x21: {  	s3 =	sadd.s32 s3, s9;
	s6 =	sadd.s32 @!p0 $0x88, s6;
	s7 =	simm.s32 @p2 $0x1082  }
0x22: {  	[simem:s7], [sflag:s8] =	dma.local @!p0 [hbm:s6], $0xF7A  }
0x23: {  	s9 =	sor.u32 $0xD0000000, s2;
	s6 =	simm.s32 $0x108;
	_ =	swait.ge @!p0 [sflag:s8], $0x0  }
0x24: {  	s3 =	sadd.s32 $0x88, s3;
	s6 =	simm.s32 @!p1 $0x1082;
	[sflag:s4] =	ssyncset.s32 $0xFFFFF086  }
0x25: {  	[simem:s6], [sflag:s4] =	dma.local [hbm:s3], $0xF7A  }
0x26: {  	[smem:$0x3F95] =	sst s1;
	(tag) =	ssettag s2;
	_ =	strace s9  }
0x27: {  	s1 =	sld [smem:$0x3FA5]  }
0x28: {  	s2 =	sld [smem:$0x3FA6]  }
0x29: {  	s4 =	sld [smem:$0x3FA8]  }
0x2a: {  	p0 =	seq.s32 s5, $0x0;
	s5 =	sld [smem:$0x3FA9]  }
0x2b: {  	s6 =	sld [smem:$0x3FAA]  }
0x2c: {  	s7 =	sld [smem:$0x3FAB]  }
0x2d: {  	s3 =	simm.s32 $0x108;
	s8 =	sld [smem:$0x3FAC]  }
0x2e: {  	s3 =	simm.s32 @!p0 $0x1082;
	s9 =	sld [smem:$0x3FAD]  }
0x2f: {  	lr =	sadd.s32 s0, s3;
	s0 =	sld [smem:$0x3FA4]  }
0x30: {  	s3 =	sld [smem:$0x3FA7]  }
0x31: {  	[smem:$0x3FB0] =	sst s10  }
0x32: {  	s10 =	sld [smem:$0x3FAE];
	_ =	sdelay $0x3  }
0x33: {  	p0 =	seq.s32 s10, $0x1;
	s10 =	sld [smem:$0x3FB0];
	_ =	sdelay $0x3  }
0x34: {  	[smem:$0x3FB0] =	sst s10  }
0x35: {  	s10 =	sld [smem:$0x3FAF];
	_ =	sdelay $0x3  }
0x36: {  	p1 =	seq.s32 s10, $0x1;
	s10 =	sld [smem:$0x3FB0];
	_ =	sdelay $0x3  }
0x37: {  	[smem:$0x3FB0] =	sst s10  }
0x38: {  	s10 =	sld [smem:$0x3FB1]  }
0x39: {  	_ = 	snop;
	(pc) =	sbr.ind lr, $3  }
0x3a: {  	_ = 	snop  }
0x3b: {  	_ = 	snop  }
0x3c: {  	p2 =	seq.s32 s10, $0x1;
	s10 =	sld [smem:$0x3FB0]  }
0x3d: {  	_ =	shalt  }
0x3e: {  	_ =	shalt  }
0x3f: {  	_ =	shalt  }
0x40: {  	_ =	shalt  }
0x41: {  	_ =	shalt  }
0x42: {  	_ =	shalt  }
0x43: {  	_ =	shalt  }
0x44: {  	_ =	shalt  }
0x45: {  	_ =	shalt  }
0x46: {  	_ =	shalt  }
0x47: {  	_ =	shalt  }
0x48: {  	_ =	shalt  }
0x49: {  	_ =	shalt  }
0x4a: {  	_ =	shalt  }
0x4b: {  	_ =	shalt  }
0x4c: {  	_ =	shalt  }
0x4d: {  	_ =	shalt  }
0x4e: {  	_ =	shalt  }
0x4f: {  	_ =	shalt  }
0x50: {  	_ =	shalt  }
0x51: {  	_ =	shalt  }
0x52: {  	_ =	shalt  }
0x53: {  	_ =	shalt  }
0x54: {  	_ =	shalt  }
0x55: {  	_ =	shalt  }
0x56: {  	_ =	shalt  }
0x57: {  	_ =	shalt  }
0x58: {  	_ =	shalt  }
0x59: {  	_ =	shalt  }
0x5a: {  	_ =	shalt  }
0x5b: {  	_ =	shalt  }
0x5c: {  	_ =	shalt  }
0x5d: {  	_ =	shalt  }
0x5e: {  	_ =	shalt  }
0x5f: {  	_ =	shalt  }
0x60: {  	_ =	shalt  }
0x61: {  	_ =	shalt  }
0x62: {  	_ =	shalt  }
0x63: {  	_ =	shalt  }
0x64: {  	_ =	shalt  }
0x65: {  	_ =	shalt  }
0x66: {  	_ =	shalt  }
0x67: {  	_ =	shalt  }
0x68: {  	_ =	shalt  }
0x69: {  	_ =	shalt  }
0x6a: {  	_ =	shalt  }
0x6b: {  	_ =	shalt  }
0x6c: {  	_ =	shalt  }
0x6d: {  	_ =	shalt  }
0x6e: {  	_ =	shalt  }
0x6f: {  	_ =	shalt  }
0x70: {  	_ =	shalt  }
0x71: {  	_ =	shalt  }
0x72: {  	_ =	shalt  }
0x73: {  	_ =	shalt  }
0x74: {  	_ =	shalt  }
0x75: {  	_ =	shalt  }
0x76: {  	_ =	shalt  }
0x77: {  	_ =	shalt  }
0x78: {  	_ =	shalt  }
0x79: {  	_ =	shalt  }
0x7a: {  	_ =	shalt  }
0x7b: {  	_ =	shalt  }
0x7c: {  	_ =	shalt  }
0x7d: {  	_ =	shalt  }
0x7e: {  	_ =	shalt  }
0x7f: {  	_ =	shalt  }
0x80: {  	_ =	shalt  }
0x81: {  	_ =	shalt  }
0x82: {  	_ =	shalt  }
0x83: {  	_ =	shalt  }
0x84: {  	_ =	shalt  }
0x85: {  	_ =	shalt  }
0x86: {  	_ =	shalt  }
0x87: {  	_ =	shalt  }
.Lfunc_end0:
.L_simem_size_0:
called_computation.3_lowered:
.L_overlay_start_0:
0x88: {  	s2 =	sld [smem:$0x3FD9]  }
0x89: {  	s3 =	sld [smem:$0x3FFE];
	_ =	sdelay $0x1  }
0x8a: {  	s1 =	srdreg.scid  }
0x8b: {  	s0 =	sand.u32 $0x1, s1  }
0x8c: {  	s17 =	sshll.u32 s0, $0xA;
	s2 =	sadd.s32 s3, s2  }
0x8d: {  	s2 =	sadd.s32 s2, s17  }
0x8e: {  	[smem:$0x3FBC] =	sst s2  }
0x8f: {  	_ = 	snop  }
0x90: {  	s2 =	sld [smem:$0x3FD0];
	(tm) =	ssettm $0x1  }
0x91: {  	s18 =	sld [smem:$0x3FFB];
	_ =	sdelay $0x3  }
0x92: {  	_ =	strace s18  }
0x93: {  	s3 =	sld [smem:$0x3FFC];
	_ =	sdelay $0x3  }
0x94: {  	_ =	strace s3  }
0x95: {  	s3 =	sld [smem:$0x3FFD];
	_ =	sdelay $0x3  }
0x96: {  	_ =	strace s3  }
0x97: {  	_ =	strace $0x8FFFFFFF  }
0x98: {  	s19 =	sld [smem:$0x3FDB];
	_ =	sdelay $0x1  }
0x99: {  	s4 =	simm.s32 $_scs_section_size  }
0x9a: {  	s5 =	simm.s32 $_size__tile_overlayer_lowered;
	s6 =	simm.s32 $_tile_overlayer_lowered  }
0x9b: {  	s22 =	simm.s32 $0x1BFF;
	s21 =	sshll.u32 s6, $0x1;
	s3 =	sadd.s32 s4, s19  }
0x9c: {  	s7 =	simm.s32 $0x0;
	s20 =	sshll.u32 s5, $0x1;
	s5 =	sadd.s32 s21, s3  }
0x9d: {  	[timem:s7], [sflag:s22] =	dma.local [hbm:s5], s20  }
0x9e: {  	_ =	swait.ge [sflag:s22], s20  }
0x9f: {  	s4 =	ssub.s32 $0x0, s20;
	[sflag:s22] =	ssyncset.done $0x0  }
0xa0: {  	[sflag:s22] =	ssyncadd.s32 s4;
	_ =	sdelay $0x1  }
0xa1: {  	s23 =	simm.s32 $0x1B8B  }
0xa2: {  	_ =	swait.ge [sflag:s23], $0x1  }
0xa3: {  	[sflag:s23] =	ssyncset.done $0x0  }
0xa4: {  	s25 =	simm.s32 $0x1B8E;
	s24 =	sld [smem:$0x3FFE];
	[sflag:s23] =	ssyncadd.s32 $0xFFFFFFFF  }
0xa5: {  	s26 =	simm.s32 $execute0_lowered;
	[smem:$0x3FD2] =	sst s25  }
0xa6: {  	s5 =	sshll.u32 s26, $0x1;
	_ =	strace $0x8000004F;
	[dreg:$0x1] =	wrdreg $0xFFFFFFFF  }
0xa7: {  	s28 =	simm.s32 $_size_execute0_lowered;
	s3 =	sadd.s32 s3, s5;
	[dreg:$0x0] =	wrdreg $0x0  }
0xa8: {  	s5 =	sshll.u32 s28, $0x1;
	[dreg:$0x2] =	wrdreg s3  }
0xa9: {  	[dreg:$0x3] =	wrdreg s5  }
0xaa: {  	[dreg:$0x4] =	wrdreg $0xC0  }
0xab: {  	_ =	task [dreg:s7], $0x5FFFF  }
0xac: {  	[dreg:$0x1] =	wrdreg $0xFFFFFFFF  }
0xad: {  	[dreg:$0x0] =	wrdreg $0x60  }
0xae: {  	[dreg:$0x2] =	wrdreg s24  }
0xaf: {  	[dreg:$0x3] =	wrdreg s2  }
0xb0: {  	[dreg:$0x4] =	wrdreg $0x50000  }
0xb1: {  	[dreg:$0x5] =	wrdreg $0x9  }
0xb2: {  	_ =	task.clear_ibuf [dreg:s7], $0x6FFFF;
	_ =	strace $0x9000004F  }
0xb3: {  	s29 =	simm.s32 $0x9;
	_ =	strace $0x80000051  }
0xb4: {  	_ =	swait.ge [sflag:s29], $0x1  }
0xb5: {  	[sflag:s29] =	ssyncadd.s32 $0xFFFFFFFF  }
0xb6: {  	_ =	strace $0x90000051  }
0xb7: {  	_ =	sfence  }
0xb8: {  	s30 =	sld [smem:$0x0];
	_ =	sdelay $0x2  }
0xb9: {  	s31 =	sshll.u32 s1, $0xD;
	s1 =	sshrl.u32 s1, $0x2  }
0xba: {  	s3 =	sand.u32 $0x4000, s31;
	s1 =	sadd.s32 s1, s30  }
0xbb: {  	s0 =	sor.u32 s3, s0;
	s1 =	sshll.u32 s1, $0x11  }
0xbc: {  	s0 =	sor.u32 s1, s0  }
0xbd: {  	s0 =	sadd.s32 $0x8F2B, s0  }
0xbe: {  	[sflag:s0] =	ssyncadd.remote.s32 $0x1  }
0xbf: {  	_ =	sfence.sel $0xFFFF  }
0xc0: {  	[dreg:$0x0] =	wrdreg $0xFFFFFFFF;
	(pc) =	sbr.abs _section_cstart, $3  }
0xc1: {  	[dreg:$0x1] =	wrdreg $0xFFFFFFFF  }
0xc2: {  	_ =	task.clear_ibuf [dreg:s7], $0x2FFFF;
	_ =	strace $0x9FFFFFFF  }
0xc3: {  	(tm) =	ssettm $0x7FFFFFFF  }
tec
execute0_lowered:
.L_overlay_start_1:
0x0: {  	(tag) =	ssettag $0x1  }
0x1: {  	s5 =	rddreg [dreg:$0x0]  }
0x2: {  	s7 =	rddreg [dreg:$0x1]  }
0x3: {  	s2 =	rddreg [dreg:$0x2];
	s0 =	stileid.u32  }
0x4: {  	s4 =	srdreg.scid;
	s1 =	rddreg [dreg:$0x3]  }
0x5: {  	s3 =	simm.s32 $0x0;
	s15 =	simm.s32 $0x1;
	s6 =	smul.u32 $0x2800, s0  }
0x6: {  	s8 =	sand.u32 $0x1, s4;
	[smem:$0x7FF] =	sst s3;
	s16 =	smul.u32 $0x2780, s0  }
0x7: {  	s4 =	sadd.s32 $0x35A00, s5;
	s11 =	smul.u32 $0x4F000, s0;
	s31 =	sshll.u32 s0, $0x6  }
0x8: {  	p0 =	seq.s32 s8, $0x0;
	_ =	strace $0x80000050;
	s28 =	smul.u32 $0x27800, s8  }
0x9: {  	s8 =	ssub.s32 $0x2, s8;
	s9 =	sadd.s32 $0x28000, s6;
	s12 =	sadd.s32 s16, s5  }
0xa: {  	s29 =	sshrl.u32 s8, $0x1;
	s30 =	sshrl.u32 s11, $0x2;
	s9 =	smov.u32 @p0 s6  }
0xb: {  	s13 =	sadd.s32 s28, s5;
	s14 =	ssub.s32 s8, s29;
	s11 =	sadd.s32 s30, s2  }
0xc: {  	s6 =	sor.u32 $0x1C02, s31;
	s9 =	sshrl.u32 s9, $0x3;
	s17 =	sadd.s32 $0x5CC00, s13  }
0xd: {  	s13 =	simm.s32 $0x80;
	s10 =	sadd.s32 s9, s5;
	s5 =	sadd.s32 $0xE200, s12  }
0xe: {  	s7 =	sadd.s32 s7, s9;
	s9 =	smax.u32 s14, $0x1;
	s12 =	simm.s32 $0x2800  }
0xf: {  	s14 =	simm.s32 $0x18C00;
	s16 =	sadd.s32 s16, s17;
	s17 =	simm.s32 $0x0  }
0x10: {  	s8 =	sadd.s32 $0x3A00, s10;
	s10 =	sshrl.u32 s11, $0x3;
	s11 =	simm.s32 $0x2  }
.LBB2_1:
0x11: {  	[spmem:s10], [sflag:s6] =	dma.local [hbm:s5], $0x2780  }
0x12: {  	_ =	swait.ge [sflag:s11], $0x2780  }
0x13: {  	[sflag:s11] =	ssyncset.done $0x0  }
0x14: {  	[sflag:s11] =	ssyncadd.s32 $0xFFFFD880  }
0x15: {  	[tilespmem:s3], [sflag:$0x2] =	stream.linear.gather [hbm4b:s7+s3], $0x2800, $0x38;
	[tilespmem:$0x1CC00] =	vst v63  }
0x16: {  	_ =	swait.ge [sflag:s11], $0x2800  }
0x17: {  	[sflag:s11] =	ssyncset.done $0x0  }
0x18: {  	[sflag:s11] =	ssyncadd.s32 $0xFFFFD800  }
0x19: {  	[tilespmem:s12], [sflag:$0x2] =	stream.linear.gather [hbm4b:s8+s3], $0x2800, $0x38;
	[tilespmem:$0x1CC00] =	vst v63  }
0x1a: {  	_ =	swait.ge [sflag:s11], $0x2800  }
0x1b: {  	[sflag:s11] =	ssyncset.done $0x0  }
0x1c: {  	[sflag:s11] =	ssyncadd.s32 $0xFFFFD800  }
0x1d: {  	s18 =	simm.s32 $0x0;
	[bflag:$0x0] =	sbarrier.arrive $0xFFFF  }
0x1e: {  	[tilespmem:s14], [sflag:$0x1] =	stream.indirect.gather [hbm4b:s4+s13], $0x80, s18, s13, $0xb8;
	[tilespmem:$0x1CC00] =	vst v63  }
0x1f: {  	_ =	swait.ge [sflag:s15], $0x4000  }
0x20: {  	[sflag:s15] =	ssyncset.done $0x0  }
0x21: {  	s31 =	simm.s32 $0x2800;
	[sflag:s15] =	ssyncadd.s32 $0xFFFFC000  }
0x22: {  	[spmem:s2] =	stream.indirect.scatter.add.f32 [tilespmem:s14], [sflag:$0x2], $0x80, s31, s13, $0xb8;
	[tilespmem:$0x1CC00] =	vst v63  }
0x23: {  	_ =	swait.ge [sflag:s11], $0x4000  }
0x24: {  	s19 =	simm.s32 $0x400;
	s18 =	simm.s32 $0x200;
	[sflag:s11] =	ssyncset.done $0x0  }
.LBB2_2:
0x25: {  	s20 =	sshra.s32 s18, $0x2  }
0x26: {  	[sflag:s11] =	ssyncadd.s32 $0xFFFFC000;
	s18 =	smov.u32 s19;
	s21 =	sadd.s32 $0x200, s19  }
0x27: {  	[tilespmem:s14], [sflag:$0x1] =	stream.indirect.gather [hbm4b:s4+s13], $0x80, s20, s13, $0xb8;
	[tilespmem:$0x1CC00] =	vst v63  }
0x28: {  	p0 =	sne.s32 s19, $0x9E00;
	_ =	swait.ge [sflag:s15], $0x4000  }
.Ltmp0:
0x29: {  	[sflag:s15] =	ssyncset.done $0x0;
	(pc) =	sbr.rel @p0 .LBB2_2-.Ltmp0, $4  }
0x2a: {  	s19 =	sadd.s32 $0x2800, s20;
	[sflag:s15] =	ssyncadd.s32 $0xFFFFC000  }
0x2b: {  	[spmem:s2] =	stream.indirect.scatter.add.f32 [tilespmem:s14], [sflag:$0x2], $0x80, s19, s13, $0xb8;
	[tilespmem:$0x1CC00] =	vst v63  }
0x2c: {  	_ =	swait.ge [sflag:s11], $0x4000  }
0x2d: {  	s19 =	smov.u32 s21;
	[sflag:s11] =	ssyncset.done $0x0  }
0x2e: {  	s18 =	sshra.s32 s18, $0x2;
	[sflag:s11] =	ssyncadd.s32 $0xFFFFC000  }
0x2f: {  	[tilespmem:s14], [sflag:$0x1] =	stream.indirect.gather [hbm4b:s4+s13], $0x80, s18, s13, $0xb8;
	[tilespmem:$0x1CC00] =	vst v63  }
0x30: {  	_ =	swait.ge [sflag:s15], $0x4000  }
0x31: {  	[sflag:s15] =	ssyncset.done $0x0  }
0x32: {  	s18 =	sadd.s32 $0x2800, s18;
	[sflag:s15] =	ssyncadd.s32 $0xFFFFC000  }
0x33: {  	[spmem:s2] =	stream.indirect.scatter.add.f32 [tilespmem:s14], [sflag:$0x2], $0x80, s18, s13, $0xb8;
	[tilespmem:$0x1CC00] =	vst v63  }
0x34: {  	_ =	swait.ge [sflag:s11], $0x4000  }
0x35: {  	s17 =	sadd.s32 $0x1, s17;
	[sflag:s11] =	ssyncset.done $0x0  }
0x36: {  	p0 =	sne.s32 s17, s9;
	[sflag:s11] =	ssyncadd.s32 $0xFFFFC000  }
.Ltmp1:
0x37: {  	[bflag:$0x0] =	sbarrier.arrive $0xFFFF;
	(pc) =	sbr.rel @p0 .LBB2_1-.Ltmp1, $4  }
0x38: {  	[hbm:s16], [sflag:s6] =	dma.local [spmem:s10], $0x2780  }
0x39: {  	_ =	swait.ge [sflag:s11], $0x2780  }
0x3a: {  	[sflag:s11] =	ssyncset.done $0x0  }
0x3b: {  	[sflag:s11] =	ssyncadd.s32 $0xFFFFD880  }
0x3c: {  	_ =	sfence.sel $0x180000  }
0x3d: {  	[bflag:$0x0] =	sbarrier.arrive $0xFFFF  }
0x3e: {  	p0 =	sne.s32 s0, $0x0;
	_ =	strace $0x90000050  }
0x3f: {  	s0 =	sadd.s32 @!p0 $0x100000, s1;
	[bflag:$0x2] =	sbarrier.arrive $0xFFFF  }
0x40: {  	[sflag:s0] =	ssyncadd.tile.s32 @!p0 $0x1;
	_ =	shalt  }
.Lfunc_end2:
_tile_overlayer_lowered:
.L_overlay_start_2:
0x41: {  	(tag) =	ssettag $0x2  }
0x42: {  	s0 =	rddreg [dreg:$0x0];
	s2 =	stileid.u32  }
0x43: {  	s1 =	rddreg [dreg:$0x1];
	p0 =	sne.s32 s2, $0x0  }
0x44: {  	s3 =	rddreg [dreg:$0x2];
	[bflag:$0x3] =	sbarrier.arrive $0xFFFF;
	s2 =	simm.s32 @!p0 $0x1C02  }
0x45: {  	[timem:s3], [sflag:s2] =	dma.local @!p0 [hbm:s0], s1  }
0x46: {  	s0 =	simm.s32 @!p0 $0x2  }
0x47: {  	_ =	swait.ge @!p0 [sflag:s0], s1  }
0x48: {  	s1 =	ssub.s32 @!p0 $0x0, s1;
	[sflag:s0] =	ssyncset.done @!p0 $0x0  }
0x49: {  	[sflag:s0] =	ssyncadd.s32 @!p0 s1  }
0x4a: {  	[bflag:$0x3] =	sbarrier.arrive $0xFFFF  }
0x4b: {  	_ =	shalt  }

</sc_bundles>
